<compile_context>
chip_gen: v7x
topology: tpu7x:2x2x1
jax: 0.10.2.dev20260603
libtpu: 0.0.44.dev20260713+nightly
codegen_flags: <defaults>
</compile_context>

<pallas_src>
import functools
import math

import jax
import jax.numpy as jnp
from jax import lax
from jax.experimental import pallas as pl
from jax.experimental.pallas import tpu as pltpu
from jax.experimental.pallas import tpu_sc as plsc

NC = 2
NS = 16
NW = NC * NS
LANES = 16
EMB = 64
SCALE = math.sqrt(EMB)
ROW = 128
NBUF = 4


@jax.jit
def _relayout(table_t, tail_rows):
    emb, n_vocab = table_t.shape
    n_tail = tail_rows.shape[0]
    n_main = n_vocab - n_tail
    n_slabs = n_main // NW // ROW * NW
    per_w = n_slabs // NW
    n_extra = n_main // ROW - n_slabs

    mesh = plsc.VectorSubcoreMesh(core_axis_name="c", subcore_axis_name="s")

    src_bufs = [pltpu.VMEM((EMB, ROW), jnp.float32) for _ in range(NBUF)]
    dst_bufs = [pltpu.VMEM((ROW, ROW), jnp.float32) for _ in range(NBUF)]
    lsems = [pltpu.SemaphoreType.DMA for _ in range(NBUF)]
    wsems = [pltpu.SemaphoreType.DMA for _ in range(NBUF)]

    @functools.partial(
        pl.kernel,
        out_type=jax.ShapeDtypeStruct((n_vocab, ROW), jnp.float32),
        mesh=mesh,
        scratch_types=src_bufs + dst_bufs + lsems + wsems,
        compiler_params=pltpu.CompilerParams(needs_layout_passes=False),
    )
    def body(tab_hbm, tail_hbm, out_hbm, *refs):
        src = refs[:NBUF]
        dst = refs[NBUF:2 * NBUF]
        lsem = refs[2 * NBUF:3 * NBUF]
        wsem = refs[3 * NBUF:4 * NBUF]

        wid = lax.axis_index("s") * NC + lax.axis_index("c")

        def col0(s):
            return pl.multiple_of(s * ROW, ROW)

        def load_desc(s, b):
            return pltpu.make_async_copy(
                tab_hbm.at[:, pl.ds(col0(s), ROW)], src[b], lsem[b]
            )

        def store_desc(s, b):
            return pltpu.make_async_copy(
                dst[b], out_hbm.at[pl.ds(col0(s), ROW)], wsem[b]
            )

        iot = lax.iota(jnp.int32, LANES)
        jvecs = [iot + (g * LANES) for g in range(ROW // LANES)]

        def transpose_slab(b):
            @plsc.parallel_loop(0, EMB, unroll=4)
            def _e(e):
                row = jnp.bitwise_and(iot + e, EMB - 1)
                for g in range(ROW // LANES):
                    v = plsc.load_gather(src[b], [row, jvecs[g]])
                    plsc.store_scatter(dst[b], [jvecs[g], row], v)

        s0 = wid * per_w

        for b in range(NBUF):
            load_desc(s0 + b, b).start()

        @pl.loop(0, per_w, step=NBUF)
        def _ring(i0):
            for b in range(NBUF):
                i = i0 + b
                load_desc(s0 + i, b).wait()

                @pl.when(i >= NBUF)
                def _():
                    store_desc(s0 + i, b).wait()

                transpose_slab(b)

                @pl.when(i + NBUF < per_w)
                def _():
                    load_desc(s0 + i + NBUF, b).start()

                store_desc(s0 + i, b).start()

        for b in range(NBUF):
            store_desc(s0 + per_w - NBUF + b, b).wait()

        @pl.when(wid < n_extra)
        def _():
            s = n_slabs + wid
            load_desc(s, 0).start()
            load_desc(s, 0).wait()
            transpose_slab(0)
            store_desc(s, 0).start()
            store_desc(s, 0).wait()

        @pl.when(wid == n_extra)
        def _():
            pltpu.sync_copy(tail_hbm, src[0])
            pltpu.sync_copy(src[0], out_hbm.at[pl.ds(n_main, n_tail)])

    return body(table_t, tail_rows)


@jax.jit
def _lookup(tokens_t, table_pad):
    n_pos, n_rows = tokens_t.shape
    slab = n_rows // NW

    mesh = plsc.VectorSubcoreMesh(core_axis_name="c", subcore_axis_name="s")

    row_bufs = [pltpu.VMEM((slab, ROW), jnp.float32) for _ in range(NBUF)]
    slab_bufs = [pltpu.VMEM((EMB, slab), jnp.float32) for _ in range(NBUF)]
    gsems = [pltpu.SemaphoreType.DMA for _ in range(NBUF)]
    ssems = [pltpu.SemaphoreType.DMA for _ in range(NBUF)]

    @functools.partial(
        pl.kernel,
        out_type=jax.ShapeDtypeStruct((n_pos, EMB, n_rows), jnp.float32),
        mesh=mesh,
        scratch_types=[pltpu.VMEM((n_pos, slab), jnp.int32)]
        + row_bufs + slab_bufs + gsems + ssems,
        compiler_params=pltpu.CompilerParams(needs_layout_passes=False),
    )
    def body(tok_hbm, table_hbm, out_hbm, tok_v, *refs):
        rows = refs[:NBUF]
        slabs = refs[NBUF:2 * NBUF]
        gsem = refs[2 * NBUF:3 * NBUF]
        ssem = refs[3 * NBUF:4 * NBUF]

        wid = lax.axis_index("s") * NC + lax.axis_index("c")
        r0 = wid * slab

        pltpu.sync_copy(tok_hbm.at[:, pl.ds(r0, slab)], tok_v)

        def gather_desc(p, b):
            return pltpu.make_async_copy(
                table_hbm.at[tok_v.at[p]], rows[b], gsem[b]
            )

        def store_desc(p, b):
            dst = out_hbm.at[p, :, pl.ds(r0, slab)]
            return pltpu.make_async_copy(slabs[b], dst, ssem[b])

        iot = lax.iota(jnp.int32, LANES)
        jvecs = [iot + (g * LANES) for g in range(slab // LANES)]

        def transpose_slab(b):
            @plsc.parallel_loop(0, EMB, unroll=4)
            def _e(e):
                col = jnp.bitwise_and(iot + e, EMB - 1)
                for g in range(slab // LANES):
                    v = plsc.load_gather(rows[b], [jvecs[g], col])
                    plsc.store_scatter(slabs[b], [col, jvecs[g]], v * SCALE)

        for b in range(NBUF):
            gather_desc(b, b).start()

        @pl.loop(0, n_pos, step=NBUF)
        def _ring(p0):
            for b in range(NBUF):
                p = p0 + b
                gather_desc(p, b).wait()

                @pl.when(p >= NBUF)
                def _():
                    store_desc(p, b).wait()

                transpose_slab(b)

                @pl.when(p + NBUF < n_pos)
                def _():
                    gather_desc(p + NBUF, b).start()

                store_desc(p, b).start()

        for b in range(NBUF):
            store_desc(n_pos - NBUF + b, b).wait()

    return body(tokens_t, table_pad)


def kernel(tokens, table):
    if tokens.dtype != jnp.int32:
        tokens = tokens.astype(jnp.int32)
    n_vocab, emb = table.shape
    n_tail = n_vocab % ROW
    tail = jnp.pad(table[n_vocab - n_tail:], ((0, 0), (0, ROW - emb)))
    table_pad = _relayout(table.T, tail)
    out_t = _lookup(tokens.T, table_pad)
    return jnp.transpose(out_t, (2, 0, 1))

# --- scband reference (transcript-rebuilt; emitter-appended) ---
"""Pipeline reference for scband-token-embedding-14001593385096 (READ-ONLY COPY).

The authoritative reference and input builder live on the scoring server;
editing this copy changes nothing except your own understanding.
"""

import jax, jax.numpy as jnp
import numpy as np
import math

VOCAB = 1000000
EMB = 64

def setup_inputs(seed: int = 0) -> dict:
    key = jax.random.key(seed)
    k1, k2 = jax.random.split(key)
    tokens = jax.random.randint(k1, (4096, 200), 0, VOCAB, dtype=jnp.int64 if jax.config.jax_enable_x64 else jnp.int32)
    table = jax.random.normal(k2, (VOCAB, EMB), dtype=jnp.float32)
    return {"tokens": tokens, "table": table}

def reference(tokens, table):
    # nn.Embedding lookup followed by scale by sqrt(emb_size)
    emb = jnp.take(table, tokens, axis=0)
    return emb * math.sqrt(EMB)

if __name__ == "__main__":
    import jax
    _d = setup_inputs()
    print(jax.jit(kernel)(*tuple(_d.values())))

</pallas_src>

<mosaic_0001>
#map = affine_map<(d0, d1) -> (0, 0)>
module attributes {stable_mosaic.version = 14 : i64} {
  func.func @body(%arg0: i32, %arg1: i32, %arg2: memref<64x1000000xf32, #tpu.memory_space<hbm>>, %arg3: memref<64x128xf32, #tpu.memory_space<hbm>>, %arg4: memref<1000000x128xf32, #tpu.memory_space<hbm>>, %arg5: memref<64x128xf32, #tpu.memory_space<vmem>>, %arg6: memref<64x128xf32, #tpu.memory_space<vmem>>, %arg7: memref<64x128xf32, #tpu.memory_space<vmem>>, %arg8: memref<64x128xf32, #tpu.memory_space<vmem>>, %arg9: memref<128x128xf32, #tpu.memory_space<vmem>>, %arg10: memref<128x128xf32, #tpu.memory_space<vmem>>, %arg11: memref<128x128xf32, #tpu.memory_space<vmem>>, %arg12: memref<128x128xf32, #tpu.memory_space<vmem>>, %arg13: memref<!tpu.dma_semaphore, #tpu.memory_space<semaphore_mem>>, %arg14: memref<!tpu.dma_semaphore, #tpu.memory_space<semaphore_mem>>, %arg15: memref<!tpu.dma_semaphore, #tpu.memory_space<semaphore_mem>>, %arg16: memref<!tpu.dma_semaphore, #tpu.memory_space<semaphore_mem>>, %arg17: memref<!tpu.dma_semaphore, #tpu.memory_space<semaphore_mem>>, %arg18: memref<!tpu.dma_semaphore, #tpu.memory_space<semaphore_mem>>, %arg19: memref<!tpu.dma_semaphore, #tpu.memory_space<semaphore_mem>>, %arg20: memref<!tpu.dma_semaphore, #tpu.memory_space<semaphore_mem>>) attributes {dimension_semantics = [#tpu.dimension_semantics<core_parallel>, #tpu.dimension_semantics<subcore_parallel>], iteration_bounds = array<i64: 2, 16>, scalar_prefetch = 0 : i64, scratch_operands = 16 : i64, tpu.core_type = #tpu.core_type<sc_vector_subcore>, window_params = [{transform_indices = #map}, {transform_indices = #map}, {transform_indices = #map}]} {
    %mul3A = arith.constant 2 : i32
    %mul3A_0 = arith.muli %arg1, %mul3A : i32
    %add3A = arith.addi %mul3A_0, %arg0 : i32
    %iota3A = tpu.iota {dimensions = array<i32: 0>} : vector<16xi32>
    %add3A_1 = arith.constant 0 : i32
    %add3A_2 = vector.broadcast %add3A_1 : i32 to vector<16xi32>
    %add3A_3 = arith.addi %iota3A, %add3A_2 : vector<16xi32>
    %add3A_4 = arith.constant 16 : i32
    %add3A_5 = vector.broadcast %add3A_4 : i32 to vector<16xi32>
    %add3A_6 = arith.addi %iota3A, %add3A_5 : vector<16xi32>
    %add3A_7 = arith.constant 32 : i32
    %add3A_8 = vector.broadcast %add3A_7 : i32 to vector<16xi32>
    %add3A_9 = arith.addi %iota3A, %add3A_8 : vector<16xi32>
    %add3A_10 = arith.constant 48 : i32
    %add3A_11 = vector.broadcast %add3A_10 : i32 to vector<16xi32>
    %add3A_12 = arith.addi %iota3A, %add3A_11 : vector<16xi32>
    %add3A_13 = arith.constant 64 : i32
    %add3A_14 = vector.broadcast %add3A_13 : i32 to vector<16xi32>
    %add3A_15 = arith.addi %iota3A, %add3A_14 : vector<16xi32>
    %add3A_16 = arith.constant 80 : i32
    %add3A_17 = vector.broadcast %add3A_16 : i32 to vector<16xi32>
    %add3A_18 = arith.addi %iota3A, %add3A_17 : vector<16xi32>
    %add3A_19 = arith.constant 96 : i32
    %add3A_20 = vector.broadcast %add3A_19 : i32 to vector<16xi32>
    %add3A_21 = arith.addi %iota3A, %add3A_20 : vector<16xi32>
    %add3A_22 = arith.constant 112 : i32
    %add3A_23 = vector.broadcast %add3A_22 : i32 to vector<16xi32>
    %add3A_24 = arith.addi %iota3A, %add3A_23 : vector<16xi32>
    %mul3A_25 = arith.constant 244 : i32
    %mul3A_26 = arith.muli %add3A, %mul3A_25 : i32
    %add3A_27 = arith.constant 0 : i32
    %add3A_28 = arith.addi %mul3A_26, %add3A_27 : i32
    %mul3A_29 = arith.constant 128 : i32
    %mul3A_30 = arith.muli %add3A_28, %mul3A_29 : i32
    %multiple_of3A = tpu.assume_multiple %mul3A_30, 128 : i32
    %dma_start3A = arith.constant 0 : i32
    %dma_start3A_31 = tpu.memref_slice %arg2[%dma_start3A, %multiple_of3A] : memref<64x1000000xf32, #tpu.memory_space<hbm>> -> memref<64x128xf32, #tpu.memory_space<hbm>>
    %dma_start3A_32 = arith.constant 0 : i32
    %dma_start3A_33 = tpu.memref_slice %arg2[%dma_start3A_32, %multiple_of3A] : memref<64x1000000xf32, #tpu.memory_space<hbm>> -> memref<64x128xf32, #tpu.memory_space<hbm>>
    tpu.enqueue_dma source(%dma_start3A_33 : memref<64x128xf32, #tpu.memory_space<hbm>>) target(%arg5 : memref<64x128xf32, #tpu.memory_space<vmem>>) target_semaphore(%arg13 : memref<!tpu.dma_semaphore, #tpu.memory_space<semaphore_mem>>)
    %add3A_34 = arith.constant 1 : i32
    %add3A_35 = arith.addi %mul3A_26, %add3A_34 : i32
    %mul3A_36 = arith.constant 128 : i32
    %mul3A_37 = arith.muli %add3A_35, %mul3A_36 : i32
    %multiple_of3A_38 = tpu.assume_multiple %mul3A_37, 128 : i32
    %dma_start3A_39 = arith.constant 0 : i32
    %dma_start3A_40 = tpu.memref_slice %arg2[%dma_start3A_39, %multiple_of3A_38] : memref<64x1000000xf32, #tpu.memory_space<hbm>> -> memref<64x128xf32, #tpu.memory_space<hbm>>
    %dma_start3A_41 = arith.constant 0 : i32
    %dma_start3A_42 = tpu.memref_slice %arg2[%dma_start3A_41, %multiple_of3A_38] : memref<64x1000000xf32, #tpu.memory_space<hbm>> -> memref<64x128xf32, #tpu.memory_space<hbm>>
    tpu.enqueue_dma source(%dma_start3A_42 : memref<64x128xf32, #tpu.memory_space<hbm>>) target(%arg6 : memref<64x128xf32, #tpu.memory_space<vmem>>) target_semaphore(%arg14 : memref<!tpu.dma_semaphore, #tpu.memory_space<semaphore_mem>>)
    %add3A_43 = arith.constant 2 : i32
    %add3A_44 = arith.addi %mul3A_26, %add3A_43 : i32
    %mul3A_45 = arith.constant 128 : i32
    %mul3A_46 = arith.muli %add3A_44, %mul3A_45 : i32
    %multiple_of3A_47 = tpu.assume_multiple %mul3A_46, 128 : i32
    %dma_start3A_48 = arith.constant 0 : i32
    %dma_start3A_49 = tpu.memref_slice %arg2[%dma_start3A_48, %multiple_of3A_47] : memref<64x1000000xf32, #tpu.memory_space<hbm>> -> memref<64x128xf32, #tpu.memory_space<hbm>>
    %dma_start3A_50 = arith.constant 0 : i32
    %dma_start3A_51 = tpu.memref_slice %arg2[%dma_start3A_50, %multiple_of3A_47] : memref<64x1000000xf32, #tpu.memory_space<hbm>> -> memref<64x128xf32, #tpu.memory_space<hbm>>
    tpu.enqueue_dma source(%dma_start3A_51 : memref<64x128xf32, #tpu.memory_space<hbm>>) target(%arg7 : memref<64x128xf32, #tpu.memory_space<vmem>>) target_semaphore(%arg15 : memref<!tpu.dma_semaphore, #tpu.memory_space<semaphore_mem>>)
    %add3A_52 = arith.constant 3 : i32
    %add3A_53 = arith.addi %mul3A_26, %add3A_52 : i32
    %mul3A_54 = arith.constant 128 : i32
    %mul3A_55 = arith.muli %add3A_53, %mul3A_54 : i32
    %multiple_of3A_56 = tpu.assume_multiple %mul3A_55, 128 : i32
    %dma_start3A_57 = arith.constant 0 : i32
    %dma_start3A_58 = tpu.memref_slice %arg2[%dma_start3A_57, %multiple_of3A_56] : memref<64x1000000xf32, #tpu.memory_space<hbm>> -> memref<64x128xf32, #tpu.memory_space<hbm>>
    %dma_start3A_59 = arith.constant 0 : i32
    %dma_start3A_60 = tpu.memref_slice %arg2[%dma_start3A_59, %multiple_of3A_56] : memref<64x1000000xf32, #tpu.memory_space<hbm>> -> memref<64x128xf32, #tpu.memory_space<hbm>>
    tpu.enqueue_dma source(%dma_start3A_60 : memref<64x128xf32, #tpu.memory_space<hbm>>) target(%arg8 : memref<64x128xf32, #tpu.memory_space<vmem>>) target_semaphore(%arg16 : memref<!tpu.dma_semaphore, #tpu.memory_space<semaphore_mem>>)
    %scan3A = arith.constant 0 : i32
    %scan3A_61 = arith.constant 61 : i32
    %scan3A_62 = arith.addi %scan3A, %scan3A_61 : i32
    %scan3A_63 = arith.constant 1 : i32
    scf.for %scan3A_121 = %scan3A to %scan3A_62 step %scan3A_63  : i32 {
      %mul3A_122 = arith.constant 4 : i32
      %mul3A_123 = arith.muli %scan3A_121, %mul3A_122 : i32
      %add3A_124 = arith.constant 0 : i32
      %add3A_125 = arith.addi %add3A_124, %mul3A_123 : i32
      %add3A_126 = arith.constant 0 : i32
      %add3A_127 = arith.addi %add3A_125, %add3A_126 : i32
      %add3A_128 = arith.addi %mul3A_26, %add3A_127 : i32
      %mul3A_129 = arith.constant 128 : i32
      %mul3A_130 = arith.muli %add3A_128, %mul3A_129 : i32
      %multiple_of3A_131 = tpu.assume_multiple %mul3A_130, 128 : i32
      %dma_wait3A_132 = arith.constant 0 : i32
      %dma_wait3A_133 = tpu.memref_slice %arg2[%dma_wait3A_132, %multiple_of3A_131] : memref<64x1000000xf32, #tpu.memory_space<hbm>> -> memref<64x128xf32, #tpu.memory_space<hbm>>
      %dma_wait3A_134 = arith.constant 0 : i32
      %dma_wait3A_135 = tpu.memref_slice %arg2[%dma_wait3A_134, %multiple_of3A_131] : memref<64x1000000xf32, #tpu.memory_space<hbm>> -> memref<64x128xf32, #tpu.memory_space<hbm>>
      tpu.wait_dma2 semaphore(%arg13 : memref<!tpu.dma_semaphore, #tpu.memory_space<semaphore_mem>>) src(%dma_wait3A_135 : memref<64x128xf32, #tpu.memory_space<hbm>>) dst(%arg5 : memref<64x128xf32, #tpu.memory_space<vmem>>)
      %ge3A = arith.constant 4 : i32
      %ge3A_136 = arith.cmpi sge, %add3A_127, %ge3A : i32
      %convert_element_type3A_137 = arith.extui %ge3A_136 : i1 to i32
      %cond3A_138 = arith.constant 0 : i32
      %cond3A_139 = arith.cmpi ne, %convert_element_type3A_137, %cond3A_138 : i32
      scf.if %cond3A_139 {
        %add3A_256 = arith.addi %mul3A_26, %add3A_127 : i32
        %mul3A_257 = arith.constant 128 : i32
        %mul3A_258 = arith.muli %add3A_256, %mul3A_257 : i32
        %multiple_of3A_259 = tpu.assume_multiple %mul3A_258, 128 : i32
        %dma_wait3A_260 = arith.constant 0 : i32
        %dma_wait3A_261 = tpu.memref_slice %arg4[%multiple_of3A_259, %dma_wait3A_260] : memref<1000000x128xf32, #tpu.memory_space<hbm>> -> memref<128x128xf32, #tpu.memory_space<hbm>>
        %dma_wait3A_262 = arith.constant 0 : i32
        %dma_wait3A_263 = tpu.memref_slice %arg4[%multiple_of3A_259, %dma_wait3A_262] : memref<1000000x128xf32, #tpu.memory_space<hbm>> -> memref<128x128xf32, #tpu.memory_space<hbm>>
        tpu.wait_dma2 semaphore(%arg17 : memref<!tpu.dma_semaphore, #tpu.memory_space<semaphore_mem>>) src(%arg9 : memref<128x128xf32, #tpu.memory_space<vmem>>) dst(%dma_wait3A_263 : memref<128x128xf32, #tpu.memory_space<hbm>>)
      } else {
      }
      %parallel_loop3A = arith.constant 0 : i32
      %parallel_loop3A_140 = arith.constant 64 : i32
      %parallel_loop3A_141 = arith.constant 1 : i32
      scf.for %parallel_loop3A_256 = %parallel_loop3A to %parallel_loop3A_140 step %parallel_loop3A_141  : i32 {
        %parallel_loop3A_257 = vector.broadcast %parallel_loop3A_256 : i32 to vector<16xi32>
        %parallel_loop3A_258 = arith.addi %iota3A, %parallel_loop3A_257 : vector<16xi32>
        %parallel_loop3A_259 = arith.constant 63 : i32
        %parallel_loop3A_260 = vector.broadcast %parallel_loop3A_259 : i32 to vector<16xi32>
        %parallel_loop3A_261 = arith.andi %parallel_loop3A_258, %parallel_loop3A_260 : vector<16xi32>
        %parallel_loop3A_262 = tpu.vector_load_idx %arg5[%parallel_loop3A_261, %add3A_3] : memref<64x128xf32, #tpu.memory_space<vmem>>[vector<16xi32>, vector<16xi32>], vector<16xf32>,
        tpu.vector_store_idx %arg9[%add3A_3, %parallel_loop3A_261], %parallel_loop3A_262 : memref<128x128xf32, #tpu.memory_space<vmem>>[vector<16xi32>, vector<16xi32>], vector<16xf32>,
        %parallel_loop3A_263 = tpu.vector_load_idx %arg5[%parallel_loop3A_261, %add3A_6] : memref<64x128xf32, #tpu.memory_space<vmem>>[vector<16xi32>, vector<16xi32>], vector<16xf32>,
        tpu.vector_store_idx %arg9[%add3A_6, %parallel_loop3A_261], %parallel_loop3A_263 : memref<128x128xf32, #tpu.memory_space<vmem>>[vector<16xi32>, vector<16xi32>], vector<16xf32>,
        %parallel_loop3A_264 = tpu.vector_load_idx %arg5[%parallel_loop3A_261, %add3A_9] : memref<64x128xf32, #tpu.memory_space<vmem>>[vector<16xi32>, vector<16xi32>], vector<16xf32>,
        tpu.vector_store_idx %arg9[%add3A_9, %parallel_loop3A_261], %parallel_loop3A_264 : memref<128x128xf32, #tpu.memory_space<vmem>>[vector<16xi32>, vector<16xi32>], vector<16xf32>,
        %parallel_loop3A_265 = tpu.vector_load_idx %arg5[%parallel_loop3A_261, %add3A_12] : memref<64x128xf32, #tpu.memory_space<vmem>>[vector<16xi32>, vector<16xi32>], vector<16xf32>,
        tpu.vector_store_idx %arg9[%add3A_12, %parallel_loop3A_261], %parallel_loop3A_265 : memref<128x128xf32, #tpu.memory_space<vmem>>[vector<16xi32>, vector<16xi32>], vector<16xf32>,
        %parallel_loop3A_266 = tpu.vector_load_idx %arg5[%parallel_loop3A_261, %add3A_15] : memref<64x128xf32, #tpu.memory_space<vmem>>[vector<16xi32>, vector<16xi32>], vector<16xf32>,
        tpu.vector_store_idx %arg9[%add3A_15, %parallel_loop3A_261], %parallel_loop3A_266 : memref<128x128xf32, #tpu.memory_space<vmem>>[vector<16xi32>, vector<16xi32>], vector<16xf32>,
        %parallel_loop3A_267 = tpu.vector_load_idx %arg5[%parallel_loop3A_261, %add3A_18] : memref<64x128xf32, #tpu.memory_space<vmem>>[vector<16xi32>, vector<16xi32>], vector<16xf32>,
        tpu.vector_store_idx %arg9[%add3A_18, %parallel_loop3A_261], %parallel_loop3A_267 : memref<128x128xf32, #tpu.memory_space<vmem>>[vector<16xi32>, vector<16xi32>], vector<16xf32>,
        %parallel_loop3A_268 = tpu.vector_load_idx %arg5[%parallel_loop3A_261, %add3A_21] : memref<64x128xf32, #tpu.memory_space<vmem>>[vector<16xi32>, vector<16xi32>], vector<16xf32>,
        tpu.vector_store_idx %arg9[%add3A_21, %parallel_loop3A_261], %parallel_loop3A_268 : memref<128x128xf32, #tpu.memory_space<vmem>>[vector<16xi32>, vector<16xi32>], vector<16xf32>,
        %parallel_loop3A_269 = tpu.vector_load_idx %arg5[%parallel_loop3A_261, %add3A_24] : memref<64x128xf32, #tpu.memory_space<vmem>>[vector<16xi32>, vector<16xi32>], vector<16xf32>,
        tpu.vector_store_idx %arg9[%add3A_24, %parallel_loop3A_261], %parallel_loop3A_269 : memref<128x128xf32, #tpu.memory_space<vmem>>[vector<16xi32>, vector<16xi32>], vector<16xf32>,
      } {sc.loop_unroll_factor = 4 : i64, sc.parallel_access}
      %add3A_142 = arith.constant 4 : i32
      %add3A_143 = arith.addi %add3A_127, %add3A_142 : i32
      %lt3A_144 = arith.constant 244 : i32
      %lt3A_145 = arith.cmpi slt, %add3A_143, %lt3A_144 : i32
      %convert_element_type3A_146 = arith.extui %lt3A_145 : i1 to i32
      %cond3A_147 = arith.constant 0 : i32
      %cond3A_148 = arith.cmpi ne, %convert_element_type3A_146, %cond3A_147 : i32
      scf.if %cond3A_148 {
        %add3A_256 = arith.addi %mul3A_26, %add3A_127 : i32
        %add3A_257 = arith.constant 4 : i32
        %add3A_258 = arith.addi %add3A_256, %add3A_257 : i32
        %mul3A_259 = arith.constant 128 : i32
        %mul3A_260 = arith.muli %add3A_258, %mul3A_259 : i32
        %multiple_of3A_261 = tpu.assume_multiple %mul3A_260, 128 : i32
        %dma_start3A_262 = arith.constant 0 : i32
        %dma_start3A_263 = tpu.memref_slice %arg2[%dma_start3A_262, %multiple_of3A_261] : memref<64x1000000xf32, #tpu.memory_space<hbm>> -> memref<64x128xf32, #tpu.memory_space<hbm>>
        %dma_start3A_264 = arith.constant 0 : i32
        %dma_start3A_265 = tpu.memref_slice %arg2[%dma_start3A_264, %multiple_of3A_261] : memref<64x1000000xf32, #tpu.memory_space<hbm>> -> memref<64x128xf32, #tpu.memory_space<hbm>>
        tpu.enqueue_dma source(%dma_start3A_265 : memref<64x128xf32, #tpu.memory_space<hbm>>) target(%arg5 : memref<64x128xf32, #tpu.memory_space<vmem>>) target_semaphore(%arg13 : memref<!tpu.dma_semaphore, #tpu.memory_space<semaphore_mem>>)
      } else {
      }
      %add3A_149 = arith.addi %mul3A_26, %add3A_127 : i32
      %mul3A_150 = arith.constant 128 : i32
      %mul3A_151 = arith.muli %add3A_149, %mul3A_150 : i32
      %multiple_of3A_152 = tpu.assume_multiple %mul3A_151, 128 : i32
      %dma_start3A_153 = arith.constant 0 : i32
      %dma_start3A_154 = tpu.memref_slice %arg4[%multiple_of3A_152, %dma_start3A_153] : memref<1000000x128xf32, #tpu.memory_space<hbm>> -> memref<128x128xf32, #tpu.memory_space<hbm>>
      %dma_start3A_155 = arith.constant 0 : i32
      %dma_start3A_156 = tpu.memref_slice %arg4[%multiple_of3A_152, %dma_start3A_155] : memref<1000000x128xf32, #tpu.memory_space<hbm>> -> memref<128x128xf32, #tpu.memory_space<hbm>>
      tpu.enqueue_dma source(%arg9 : memref<128x128xf32, #tpu.memory_space<vmem>>) target(%dma_start3A_156 : memref<128x128xf32, #tpu.memory_space<hbm>>) target_semaphore(%arg17 : memref<!tpu.dma_semaphore, #tpu.memory_space<semaphore_mem>>)
      %add3A_157 = arith.constant 1 : i32
      %add3A_158 = arith.addi %add3A_125, %add3A_157 : i32
      %add3A_159 = arith.addi %mul3A_26, %add3A_158 : i32
      %mul3A_160 = arith.constant 128 : i32
      %mul3A_161 = arith.muli %add3A_159, %mul3A_160 : i32
      %multiple_of3A_162 = tpu.assume_multiple %mul3A_161, 128 : i32
      %dma_wait3A_163 = arith.constant 0 : i32
      %dma_wait3A_164 = tpu.memref_slice %arg2[%dma_wait3A_163, %multiple_of3A_162] : memref<64x1000000xf32, #tpu.memory_space<hbm>> -> memref<64x128xf32, #tpu.memory_space<hbm>>
      %dma_wait3A_165 = arith.constant 0 : i32
      %dma_wait3A_166 = tpu.memref_slice %arg2[%dma_wait3A_165, %multiple_of3A_162] : memref<64x1000000xf32, #tpu.memory_space<hbm>> -> memref<64x128xf32, #tpu.memory_space<hbm>>
      tpu.wait_dma2 semaphore(%arg14 : memref<!tpu.dma_semaphore, #tpu.memory_space<semaphore_mem>>) src(%dma_wait3A_166 : memref<64x128xf32, #tpu.memory_space<hbm>>) dst(%arg6 : memref<64x128xf32, #tpu.memory_space<vmem>>)
      %ge3A_167 = arith.constant 4 : i32
      %ge3A_168 = arith.cmpi sge, %add3A_158, %ge3A_167 : i32
      %convert_element_type3A_169 = arith.extui %ge3A_168 : i1 to i32
      %cond3A_170 = arith.constant 0 : i32
      %cond3A_171 = arith.cmpi ne, %convert_element_type3A_169, %cond3A_170 : i32
      scf.if %cond3A_171 {
        %add3A_256 = arith.addi %mul3A_26, %add3A_158 : i32
        %mul3A_257 = arith.constant 128 : i32
        %mul3A_258 = arith.muli %add3A_256, %mul3A_257 : i32
        %multiple_of3A_259 = tpu.assume_multiple %mul3A_258, 128 : i32
        %dma_wait3A_260 = arith.constant 0 : i32
        %dma_wait3A_261 = tpu.memref_slice %arg4[%multiple_of3A_259, %dma_wait3A_260] : memref<1000000x128xf32, #tpu.memory_space<hbm>> -> memref<128x128xf32, #tpu.memory_space<hbm>>
        %dma_wait3A_262 = arith.constant 0 : i32
        %dma_wait3A_263 = tpu.memref_slice %arg4[%multiple_of3A_259, %dma_wait3A_262] : memref<1000000x128xf32, #tpu.memory_space<hbm>> -> memref<128x128xf32, #tpu.memory_space<hbm>>
        tpu.wait_dma2 semaphore(%arg18 : memref<!tpu.dma_semaphore, #tpu.memory_space<semaphore_mem>>) src(%arg10 : memref<128x128xf32, #tpu.memory_space<vmem>>) dst(%dma_wait3A_263 : memref<128x128xf32, #tpu.memory_space<hbm>>)
      } else {
      }
      %parallel_loop3A_172 = arith.constant 0 : i32
      %parallel_loop3A_173 = arith.constant 64 : i32
      %parallel_loop3A_174 = arith.constant 1 : i32
      scf.for %parallel_loop3A_256 = %parallel_loop3A_172 to %parallel_loop3A_173 step %parallel_loop3A_174  : i32 {
        %parallel_loop3A_257 = vector.broadcast %parallel_loop3A_256 : i32 to vector<16xi32>
        %parallel_loop3A_258 = arith.addi %iota3A, %parallel_loop3A_257 : vector<16xi32>
        %parallel_loop3A_259 = arith.constant 63 : i32
        %parallel_loop3A_260 = vector.broadcast %parallel_loop3A_259 : i32 to vector<16xi32>
        %parallel_loop3A_261 = arith.andi %parallel_loop3A_258, %parallel_loop3A_260 : vector<16xi32>
        %parallel_loop3A_262 = tpu.vector_load_idx %arg6[%parallel_loop3A_261, %add3A_3] : memref<64x128xf32, #tpu.memory_space<vmem>>[vector<16xi32>, vector<16xi32>], vector<16xf32>,
        tpu.vector_store_idx %arg10[%add3A_3, %parallel_loop3A_261], %parallel_loop3A_262 : memref<128x128xf32, #tpu.memory_space<vmem>>[vector<16xi32>, vector<16xi32>], vector<16xf32>,
        %parallel_loop3A_263 = tpu.vector_load_idx %arg6[%parallel_loop3A_261, %add3A_6] : memref<64x128xf32, #tpu.memory_space<vmem>>[vector<16xi32>, vector<16xi32>], vector<16xf32>,
        tpu.vector_store_idx %arg10[%add3A_6, %parallel_loop3A_261], %parallel_loop3A_263 : memref<128x128xf32, #tpu.memory_space<vmem>>[vector<16xi32>, vector<16xi32>], vector<16xf32>,
        %parallel_loop3A_264 = tpu.vector_load_idx %arg6[%parallel_loop3A_261, %add3A_9] : memref<64x128xf32, #tpu.memory_space<vmem>>[vector<16xi32>, vector<16xi32>], vector<16xf32>,
        tpu.vector_store_idx %arg10[%add3A_9, %parallel_loop3A_261], %parallel_loop3A_264 : memref<128x128xf32, #tpu.memory_space<vmem>>[vector<16xi32>, vector<16xi32>], vector<16xf32>,
        %parallel_loop3A_265 = tpu.vector_load_idx %arg6[%parallel_loop3A_261, %add3A_12] : memref<64x128xf32, #tpu.memory_space<vmem>>[vector<16xi32>, vector<16xi32>], vector<16xf32>,
        tpu.vector_store_idx %arg10[%add3A_12, %parallel_loop3A_261], %parallel_loop3A_265 : memref<128x128xf32, #tpu.memory_space<vmem>>[vector<16xi32>, vector<16xi32>], vector<16xf32>,
        %parallel_loop3A_266 = tpu.vector_load_idx %arg6[%parallel_loop3A_261, %add3A_15] : memref<64x128xf32, #tpu.memory_space<vmem>>[vector<16xi32>, vector<16xi32>], vector<16xf32>,
        tpu.vector_store_idx %arg10[%add3A_15, %parallel_loop3A_261], %parallel_loop3A_266 : memref<128x128xf32, #tpu.memory_space<vmem>>[vector<16xi32>, vector<16xi32>], vector<16xf32>,
        %parallel_loop3A_267 = tpu.vector_load_idx %arg6[%parallel_loop3A_261, %add3A_18] : memref<64x128xf32, #tpu.memory_space<vmem>>[vector<16xi32>, vector<16xi32>], vector<16xf32>,
        tpu.vector_store_idx %arg10[%add3A_18, %parallel_loop3A_261], %parallel_loop3A_267 : memref<128x128xf32, #tpu.memory_space<vmem>>[vector<16xi32>, vector<16xi32>], vector<16xf32>,
        %parallel_loop3A_268 = tpu.vector_load_idx %arg6[%parallel_loop3A_261, %add3A_21] : memref<64x128xf32, #tpu.memory_space<vmem>>[vector<16xi32>, vector<16xi32>], vector<16xf32>,
        tpu.vector_store_idx %arg10[%add3A_21, %parallel_loop3A_261], %parallel_loop3A_268 : memref<128x128xf32, #tpu.memory_space<vmem>>[vector<16xi32>, vector<16xi32>], vector<16xf32>,
        %parallel_loop3A_269 = tpu.vector_load_idx %arg6[%parallel_loop3A_261, %add3A_24] : memref<64x128xf32, #tpu.memory_space<vmem>>[vector<16xi32>, vector<16xi32>], vector<16xf32>,
        tpu.vector_store_idx %arg10[%add3A_24, %parallel_loop3A_261], %parallel_loop3A_269 : memref<128x128xf32, #tpu.memory_space<vmem>>[vector<16xi32>, vector<16xi32>], vector<16xf32>,
      } {sc.loop_unroll_factor = 4 : i64, sc.parallel_access}
      %add3A_175 = arith.constant 4 : i32
      %add3A_176 = arith.addi %add3A_158, %add3A_175 : i32
      %lt3A_177 = arith.constant 244 : i32
      %lt3A_178 = arith.cmpi slt, %add3A_176, %lt3A_177 : i32
      %convert_element_type3A_179 = arith.extui %lt3A_178 : i1 to i32
      %cond3A_180 = arith.constant 0 : i32
      %cond3A_181 = arith.cmpi ne, %convert_element_type3A_179, %cond3A_180 : i32
      scf.if %cond3A_181 {
        %add3A_256 = arith.addi %mul3A_26, %add3A_158 : i32
        %add3A_257 = arith.constant 4 : i32
        %add3A_258 = arith.addi %add3A_256, %add3A_257 : i32
        %mul3A_259 = arith.constant 128 : i32
        %mul3A_260 = arith.muli %add3A_258, %mul3A_259 : i32
        %multiple_of3A_261 = tpu.assume_multiple %mul3A_260, 128 : i32
        %dma_start3A_262 = arith.constant 0 : i32
        %dma_start3A_263 = tpu.memref_slice %arg2[%dma_start3A_262, %multiple_of3A_261] : memref<64x1000000xf32, #tpu.memory_space<hbm>> -> memref<64x128xf32, #tpu.memory_space<hbm>>
        %dma_start3A_264 = arith.constant 0 : i32
        %dma_start3A_265 = tpu.memref_slice %arg2[%dma_start3A_264, %multiple_of3A_261] : memref<64x1000000xf32, #tpu.memory_space<hbm>> -> memref<64x128xf32, #tpu.memory_space<hbm>>
        tpu.enqueue_dma source(%dma_start3A_265 : memref<64x128xf32, #tpu.memory_space<hbm>>) target(%arg6 : memref<64x128xf32, #tpu.memory_space<vmem>>) target_semaphore(%arg14 : memref<!tpu.dma_semaphore, #tpu.memory_space<semaphore_mem>>)
      } else {
      }
      %add3A_182 = arith.addi %mul3A_26, %add3A_158 : i32
      %mul3A_183 = arith.constant 128 : i32
      %mul3A_184 = arith.muli %add3A_182, %mul3A_183 : i32
      %multiple_of3A_185 = tpu.assume_multiple %mul3A_184, 128 : i32
      %dma_start3A_186 = arith.constant 0 : i32
      %dma_start3A_187 = tpu.memref_slice %arg4[%multiple_of3A_185, %dma_start3A_186] : memref<1000000x128xf32, #tpu.memory_space<hbm>> -> memref<128x128xf32, #tpu.memory_space<hbm>>
      %dma_start3A_188 = arith.constant 0 : i32
      %dma_start3A_189 = tpu.memref_slice %arg4[%multiple_of3A_185, %dma_start3A_188] : memref<1000000x128xf32, #tpu.memory_space<hbm>> -> memref<128x128xf32, #tpu.memory_space<hbm>>
      tpu.enqueue_dma source(%arg10 : memref<128x128xf32, #tpu.memory_space<vmem>>) target(%dma_start3A_189 : memref<128x128xf32, #tpu.memory_space<hbm>>) target_semaphore(%arg18 : memref<!tpu.dma_semaphore, #tpu.memory_space<semaphore_mem>>)
      %add3A_190 = arith.constant 2 : i32
      %add3A_191 = arith.addi %add3A_125, %add3A_190 : i32
      %add3A_192 = arith.addi %mul3A_26, %add3A_191 : i32
      %mul3A_193 = arith.constant 128 : i32
      %mul3A_194 = arith.muli %add3A_192, %mul3A_193 : i32
      %multiple_of3A_195 = tpu.assume_multiple %mul3A_194, 128 : i32
      %dma_wait3A_196 = arith.constant 0 : i32
      %dma_wait3A_197 = tpu.memref_slice %arg2[%dma_wait3A_196, %multiple_of3A_195] : memref<64x1000000xf32, #tpu.memory_space<hbm>> -> memref<64x128xf32, #tpu.memory_space<hbm>>
      %dma_wait3A_198 = arith.constant 0 : i32
      %dma_wait3A_199 = tpu.memref_slice %arg2[%dma_wait3A_198, %multiple_of3A_195] : memref<64x1000000xf32, #tpu.memory_space<hbm>> -> memref<64x128xf32, #tpu.memory_space<hbm>>
      tpu.wait_dma2 semaphore(%arg15 : memref<!tpu.dma_semaphore, #tpu.memory_space<semaphore_mem>>) src(%dma_wait3A_199 : memref<64x128xf32, #tpu.memory_space<hbm>>) dst(%arg7 : memref<64x128xf32, #tpu.memory_space<vmem>>)
      %ge3A_200 = arith.constant 4 : i32
      %ge3A_201 = arith.cmpi sge, %add3A_191, %ge3A_200 : i32
      %convert_element_type3A_202 = arith.extui %ge3A_201 : i1 to i32
      %cond3A_203 = arith.constant 0 : i32
      %cond3A_204 = arith.cmpi ne, %convert_element_type3A_202, %cond3A_203 : i32
      scf.if %cond3A_204 {
        %add3A_256 = arith.addi %mul3A_26, %add3A_191 : i32
        %mul3A_257 = arith.constant 128 : i32
        %mul3A_258 = arith.muli %add3A_256, %mul3A_257 : i32
        %multiple_of3A_259 = tpu.assume_multiple %mul3A_258, 128 : i32
        %dma_wait3A_260 = arith.constant 0 : i32
        %dma_wait3A_261 = tpu.memref_slice %arg4[%multiple_of3A_259, %dma_wait3A_260] : memref<1000000x128xf32, #tpu.memory_space<hbm>> -> memref<128x128xf32, #tpu.memory_space<hbm>>
        %dma_wait3A_262 = arith.constant 0 : i32
        %dma_wait3A_263 = tpu.memref_slice %arg4[%multiple_of3A_259, %dma_wait3A_262] : memref<1000000x128xf32, #tpu.memory_space<hbm>> -> memref<128x128xf32, #tpu.memory_space<hbm>>
        tpu.wait_dma2 semaphore(%arg19 : memref<!tpu.dma_semaphore, #tpu.memory_space<semaphore_mem>>) src(%arg11 : memref<128x128xf32, #tpu.memory_space<vmem>>) dst(%dma_wait3A_263 : memref<128x128xf32, #tpu.memory_space<hbm>>)
      } else {
      }
      %parallel_loop3A_205 = arith.constant 0 : i32
      %parallel_loop3A_206 = arith.constant 64 : i32
      %parallel_loop3A_207 = arith.constant 1 : i32
      scf.for %parallel_loop3A_256 = %parallel_loop3A_205 to %parallel_loop3A_206 step %parallel_loop3A_207  : i32 {
        %parallel_loop3A_257 = vector.broadcast %parallel_loop3A_256 : i32 to vector<16xi32>
        %parallel_loop3A_258 = arith.addi %iota3A, %parallel_loop3A_257 : vector<16xi32>
        %parallel_loop3A_259 = arith.constant 63 : i32
        %parallel_loop3A_260 = vector.broadcast %parallel_loop3A_259 : i32 to vector<16xi32>
        %parallel_loop3A_261 = arith.andi %parallel_loop3A_258, %parallel_loop3A_260 : vector<16xi32>
        %parallel_loop3A_262 = tpu.vector_load_idx %arg7[%parallel_loop3A_261, %add3A_3] : memref<64x128xf32, #tpu.memory_space<vmem>>[vector<16xi32>, vector<16xi32>], vector<16xf32>,
        tpu.vector_store_idx %arg11[%add3A_3, %parallel_loop3A_261], %parallel_loop3A_262 : memref<128x128xf32, #tpu.memory_space<vmem>>[vector<16xi32>, vector<16xi32>], vector<16xf32>,
        %parallel_loop3A_263 = tpu.vector_load_idx %arg7[%parallel_loop3A_261, %add3A_6] : memref<64x128xf32, #tpu.memory_space<vmem>>[vector<16xi32>, vector<16xi32>], vector<16xf32>,
        tpu.vector_store_idx %arg11[%add3A_6, %parallel_loop3A_261], %parallel_loop3A_263 : memref<128x128xf32, #tpu.memory_space<vmem>>[vector<16xi32>, vector<16xi32>], vector<16xf32>,
        %parallel_loop3A_264 = tpu.vector_load_idx %arg7[%parallel_loop3A_261, %add3A_9] : memref<64x128xf32, #tpu.memory_space<vmem>>[vector<16xi32>, vector<16xi32>], vector<16xf32>,
        tpu.vector_store_idx %arg11[%add3A_9, %parallel_loop3A_261], %parallel_loop3A_264 : memref<128x128xf32, #tpu.memory_space<vmem>>[vector<16xi32>, vector<16xi32>], vector<16xf32>,
        %parallel_loop3A_265 = tpu.vector_load_idx %arg7[%parallel_loop3A_261, %add3A_12] : memref<64x128xf32, #tpu.memory_space<vmem>>[vector<16xi32>, vector<16xi32>], vector<16xf32>,
        tpu.vector_store_idx %arg11[%add3A_12, %parallel_loop3A_261], %parallel_loop3A_265 : memref<128x128xf32, #tpu.memory_space<vmem>>[vector<16xi32>, vector<16xi32>], vector<16xf32>,
        %parallel_loop3A_266 = tpu.vector_load_idx %arg7[%parallel_loop3A_261, %add3A_15] : memref<64x128xf32, #tpu.memory_space<vmem>>[vector<16xi32>, vector<16xi32>], vector<16xf32>,
        tpu.vector_store_idx %arg11[%add3A_15, %parallel_loop3A_261], %parallel_loop3A_266 : memref<128x128xf32, #tpu.memory_space<vmem>>[vector<16xi32>, vector<16xi32>], vector<16xf32>,
        %parallel_loop3A_267 = tpu.vector_load_idx %arg7[%parallel_loop3A_261, %add3A_18] : memref<64x128xf32, #tpu.memory_space<vmem>>[vector<16xi32>, vector<16xi32>], vector<16xf32>,
        tpu.vector_store_idx %arg11[%add3A_18, %parallel_loop3A_261], %parallel_loop3A_267 : memref<128x128xf32, #tpu.memory_space<vmem>>[vector<16xi32>, vector<16xi32>], vector<16xf32>,
        %parallel_loop3A_268 = tpu.vector_load_idx %arg7[%parallel_loop3A_261, %add3A_21] : memref<64x128xf32, #tpu.memory_space<vmem>>[vector<16xi32>, vector<16xi32>], vector<16xf32>,
        tpu.vector_store_idx %arg11[%add3A_21, %parallel_loop3A_261], %parallel_loop3A_268 : memref<128x128xf32, #tpu.memory_space<vmem>>[vector<16xi32>, vector<16xi32>], vector<16xf32>,
        %parallel_loop3A_269 = tpu.vector_load_idx %arg7[%parallel_loop3A_261, %add3A_24] : memref<64x128xf32, #tpu.memory_space<vmem>>[vector<16xi32>, vector<16xi32>], vector<16xf32>,
        tpu.vector_store_idx %arg11[%add3A_24, %parallel_loop3A_261], %parallel_loop3A_269 : memref<128x128xf32, #tpu.memory_space<vmem>>[vector<16xi32>, vector<16xi32>], vector<16xf32>,
      } {sc.loop_unroll_factor = 4 : i64, sc.parallel_access}
      %add3A_208 = arith.constant 4 : i32
      %add3A_209 = arith.addi %add3A_191, %add3A_208 : i32
      %lt3A_210 = arith.constant 244 : i32
      %lt3A_211 = arith.cmpi slt, %add3A_209, %lt3A_210 : i32
      %convert_element_type3A_212 = arith.extui %lt3A_211 : i1 to i32
      %cond3A_213 = arith.constant 0 : i32
      %cond3A_214 = arith.cmpi ne, %convert_element_type3A_212, %cond3A_213 : i32
      scf.if %cond3A_214 {
        %add3A_256 = arith.addi %mul3A_26, %add3A_191 : i32
        %add3A_257 = arith.constant 4 : i32
        %add3A_258 = arith.addi %add3A_256, %add3A_257 : i32
        %mul3A_259 = arith.constant 128 : i32
        %mul3A_260 = arith.muli %add3A_258, %mul3A_259 : i32
        %multiple_of3A_261 = tpu.assume_multiple %mul3A_260, 128 : i32
        %dma_start3A_262 = arith.constant 0 : i32
        %dma_start3A_263 = tpu.memref_slice %arg2[%dma_start3A_262, %multiple_of3A_261] : memref<64x1000000xf32, #tpu.memory_space<hbm>> -> memref<64x128xf32, #tpu.memory_space<hbm>>
        %dma_start3A_264 = arith.constant 0 : i32
        %dma_start3A_265 = tpu.memref_slice %arg2[%dma_start3A_264, %multiple_of3A_261] : memref<64x1000000xf32, #tpu.memory_space<hbm>> -> memref<64x128xf32, #tpu.memory_space<hbm>>
        tpu.enqueue_dma source(%dma_start3A_265 : memref<64x128xf32, #tpu.memory_space<hbm>>) target(%arg7 : memref<64x128xf32, #tpu.memory_space<vmem>>) target_semaphore(%arg15 : memref<!tpu.dma_semaphore, #tpu.memory_space<semaphore_mem>>)
      } else {
      }
      %add3A_215 = arith.addi %mul3A_26, %add3A_191 : i32
      %mul3A_216 = arith.constant 128 : i32
      %mul3A_217 = arith.muli %add3A_215, %mul3A_216 : i32
      %multiple_of3A_218 = tpu.assume_multiple %mul3A_217, 128 : i32
      %dma_start3A_219 = arith.constant 0 : i32
      %dma_start3A_220 = tpu.memref_slice %arg4[%multiple_of3A_218, %dma_start3A_219] : memref<1000000x128xf32, #tpu.memory_space<hbm>> -> memref<128x128xf32, #tpu.memory_space<hbm>>
      %dma_start3A_221 = arith.constant 0 : i32
      %dma_start3A_222 = tpu.memref_slice %arg4[%multiple_of3A_218, %dma_start3A_221] : memref<1000000x128xf32, #tpu.memory_space<hbm>> -> memref<128x128xf32, #tpu.memory_space<hbm>>
      tpu.enqueue_dma source(%arg11 : memref<128x128xf32, #tpu.memory_space<vmem>>) target(%dma_start3A_222 : memref<128x128xf32, #tpu.memory_space<hbm>>) target_semaphore(%arg19 : memref<!tpu.dma_semaphore, #tpu.memory_space<semaphore_mem>>)
      %add3A_223 = arith.constant 3 : i32
      %add3A_224 = arith.addi %add3A_125, %add3A_223 : i32
      %add3A_225 = arith.addi %mul3A_26, %add3A_224 : i32
      %mul3A_226 = arith.constant 128 : i32
      %mul3A_227 = arith.muli %add3A_225, %mul3A_226 : i32
      %multiple_of3A_228 = tpu.assume_multiple %mul3A_227, 128 : i32
      %dma_wait3A_229 = arith.constant 0 : i32
      %dma_wait3A_230 = tpu.memref_slice %arg2[%dma_wait3A_229, %multiple_of3A_228] : memref<64x1000000xf32, #tpu.memory_space<hbm>> -> memref<64x128xf32, #tpu.memory_space<hbm>>
      %dma_wait3A_231 = arith.constant 0 : i32
      %dma_wait3A_232 = tpu.memref_slice %arg2[%dma_wait3A_231, %multiple_of3A_228] : memref<64x1000000xf32, #tpu.memory_space<hbm>> -> memref<64x128xf32, #tpu.memory_space<hbm>>
      tpu.wait_dma2 semaphore(%arg16 : memref<!tpu.dma_semaphore, #tpu.memory_space<semaphore_mem>>) src(%dma_wait3A_232 : memref<64x128xf32, #tpu.memory_space<hbm>>) dst(%arg8 : memref<64x128xf32, #tpu.memory_space<vmem>>)
      %ge3A_233 = arith.constant 4 : i32
      %ge3A_234 = arith.cmpi sge, %add3A_224, %ge3A_233 : i32
      %convert_element_type3A_235 = arith.extui %ge3A_234 : i1 to i32
      %cond3A_236 = arith.constant 0 : i32
      %cond3A_237 = arith.cmpi ne, %convert_element_type3A_235, %cond3A_236 : i32
      scf.if %cond3A_237 {
        %add3A_256 = arith.addi %mul3A_26, %add3A_224 : i32
        %mul3A_257 = arith.constant 128 : i32
        %mul3A_258 = arith.muli %add3A_256, %mul3A_257 : i32
        %multiple_of3A_259 = tpu.assume_multiple %mul3A_258, 128 : i32
        %dma_wait3A_260 = arith.constant 0 : i32
        %dma_wait3A_261 = tpu.memref_slice %arg4[%multiple_of3A_259, %dma_wait3A_260] : memref<1000000x128xf32, #tpu.memory_space<hbm>> -> memref<128x128xf32, #tpu.memory_space<hbm>>
        %dma_wait3A_262 = arith.constant 0 : i32
        %dma_wait3A_263 = tpu.memref_slice %arg4[%multiple_of3A_259, %dma_wait3A_262] : memref<1000000x128xf32, #tpu.memory_space<hbm>> -> memref<128x128xf32, #tpu.memory_space<hbm>>
        tpu.wait_dma2 semaphore(%arg20 : memref<!tpu.dma_semaphore, #tpu.memory_space<semaphore_mem>>) src(%arg12 : memref<128x128xf32, #tpu.memory_space<vmem>>) dst(%dma_wait3A_263 : memref<128x128xf32, #tpu.memory_space<hbm>>)
      } else {
      }
      %parallel_loop3A_238 = arith.constant 0 : i32
      %parallel_loop3A_239 = arith.constant 64 : i32
      %parallel_loop3A_240 = arith.constant 1 : i32
      scf.for %parallel_loop3A_256 = %parallel_loop3A_238 to %parallel_loop3A_239 step %parallel_loop3A_240  : i32 {
        %parallel_loop3A_257 = vector.broadcast %parallel_loop3A_256 : i32 to vector<16xi32>
        %parallel_loop3A_258 = arith.addi %iota3A, %parallel_loop3A_257 : vector<16xi32>
        %parallel_loop3A_259 = arith.constant 63 : i32
        %parallel_loop3A_260 = vector.broadcast %parallel_loop3A_259 : i32 to vector<16xi32>
        %parallel_loop3A_261 = arith.andi %parallel_loop3A_258, %parallel_loop3A_260 : vector<16xi32>
        %parallel_loop3A_262 = tpu.vector_load_idx %arg8[%parallel_loop3A_261, %add3A_3] : memref<64x128xf32, #tpu.memory_space<vmem>>[vector<16xi32>, vector<16xi32>], vector<16xf32>,
        tpu.vector_store_idx %arg12[%add3A_3, %parallel_loop3A_261], %parallel_loop3A_262 : memref<128x128xf32, #tpu.memory_space<vmem>>[vector<16xi32>, vector<16xi32>], vector<16xf32>,
        %parallel_loop3A_263 = tpu.vector_load_idx %arg8[%parallel_loop3A_261, %add3A_6] : memref<64x128xf32, #tpu.memory_space<vmem>>[vector<16xi32>, vector<16xi32>], vector<16xf32>,
        tpu.vector_store_idx %arg12[%add3A_6, %parallel_loop3A_261], %parallel_loop3A_263 : memref<128x128xf32, #tpu.memory_space<vmem>>[vector<16xi32>, vector<16xi32>], vector<16xf32>,
        %parallel_loop3A_264 = tpu.vector_load_idx %arg8[%parallel_loop3A_261, %add3A_9] : memref<64x128xf32, #tpu.memory_space<vmem>>[vector<16xi32>, vector<16xi32>], vector<16xf32>,
        tpu.vector_store_idx %arg12[%add3A_9, %parallel_loop3A_261], %parallel_loop3A_264 : memref<128x128xf32, #tpu.memory_space<vmem>>[vector<16xi32>, vector<16xi32>], vector<16xf32>,
        %parallel_loop3A_265 = tpu.vector_load_idx %arg8[%parallel_loop3A_261, %add3A_12] : memref<64x128xf32, #tpu.memory_space<vmem>>[vector<16xi32>, vector<16xi32>], vector<16xf32>,
        tpu.vector_store_idx %arg12[%add3A_12, %parallel_loop3A_261], %parallel_loop3A_265 : memref<128x128xf32, #tpu.memory_space<vmem>>[vector<16xi32>, vector<16xi32>], vector<16xf32>,
        %parallel_loop3A_266 = tpu.vector_load_idx %arg8[%parallel_loop3A_261, %add3A_15] : memref<64x128xf32, #tpu.memory_space<vmem>>[vector<16xi32>, vector<16xi32>], vector<16xf32>,
        tpu.vector_store_idx %arg12[%add3A_15, %parallel_loop3A_261], %parallel_loop3A_266 : memref<128x128xf32, #tpu.memory_space<vmem>>[vector<16xi32>, vector<16xi32>], vector<16xf32>,
        %parallel_loop3A_267 = tpu.vector_load_idx %arg8[%parallel_loop3A_261, %add3A_18] : memref<64x128xf32, #tpu.memory_space<vmem>>[vector<16xi32>, vector<16xi32>], vector<16xf32>,
        tpu.vector_store_idx %arg12[%add3A_18, %parallel_loop3A_261], %parallel_loop3A_267 : memref<128x128xf32, #tpu.memory_space<vmem>>[vector<16xi32>, vector<16xi32>], vector<16xf32>,
        %parallel_loop3A_268 = tpu.vector_load_idx %arg8[%parallel_loop3A_261, %add3A_21] : memref<64x128xf32, #tpu.memory_space<vmem>>[vector<16xi32>, vector<16xi32>], vector<16xf32>,
        tpu.vector_store_idx %arg12[%add3A_21, %parallel_loop3A_261], %parallel_loop3A_268 : memref<128x128xf32, #tpu.memory_space<vmem>>[vector<16xi32>, vector<16xi32>], vector<16xf32>,
        %parallel_loop3A_269 = tpu.vector_load_idx %arg8[%parallel_loop3A_261, %add3A_24] : memref<64x128xf32, #tpu.memory_space<vmem>>[vector<16xi32>, vector<16xi32>], vector<16xf32>,
        tpu.vector_store_idx %arg12[%add3A_24, %parallel_loop3A_261], %parallel_loop3A_269 : memref<128x128xf32, #tpu.memory_space<vmem>>[vector<16xi32>, vector<16xi32>], vector<16xf32>,
      } {sc.loop_unroll_factor = 4 : i64, sc.parallel_access}
      %add3A_241 = arith.constant 4 : i32
      %add3A_242 = arith.addi %add3A_224, %add3A_241 : i32
      %lt3A_243 = arith.constant 244 : i32
      %lt3A_244 = arith.cmpi slt, %add3A_242, %lt3A_243 : i32
      %convert_element_type3A_245 = arith.extui %lt3A_244 : i1 to i32
      %cond3A_246 = arith.constant 0 : i32
      %cond3A_247 = arith.cmpi ne, %convert_element_type3A_245, %cond3A_246 : i32
      scf.if %cond3A_247 {
        %add3A_256 = arith.addi %mul3A_26, %add3A_224 : i32
        %add3A_257 = arith.constant 4 : i32
        %add3A_258 = arith.addi %add3A_256, %add3A_257 : i32
        %mul3A_259 = arith.constant 128 : i32
        %mul3A_260 = arith.muli %add3A_258, %mul3A_259 : i32
        %multiple_of3A_261 = tpu.assume_multiple %mul3A_260, 128 : i32
        %dma_start3A_262 = arith.constant 0 : i32
        %dma_start3A_263 = tpu.memref_slice %arg2[%dma_start3A_262, %multiple_of3A_261] : memref<64x1000000xf32, #tpu.memory_space<hbm>> -> memref<64x128xf32, #tpu.memory_space<hbm>>
        %dma_start3A_264 = arith.constant 0 : i32
        %dma_start3A_265 = tpu.memref_slice %arg2[%dma_start3A_264, %multiple_of3A_261] : memref<64x1000000xf32, #tpu.memory_space<hbm>> -> memref<64x128xf32, #tpu.memory_space<hbm>>
        tpu.enqueue_dma source(%dma_start3A_265 : memref<64x128xf32, #tpu.memory_space<hbm>>) target(%arg8 : memref<64x128xf32, #tpu.memory_space<vmem>>) target_semaphore(%arg16 : memref<!tpu.dma_semaphore, #tpu.memory_space<semaphore_mem>>)
      } else {
      }
      %add3A_248 = arith.addi %mul3A_26, %add3A_224 : i32
      %mul3A_249 = arith.constant 128 : i32
      %mul3A_250 = arith.muli %add3A_248, %mul3A_249 : i32
      %multiple_of3A_251 = tpu.assume_multiple %mul3A_250, 128 : i32
      %dma_start3A_252 = arith.constant 0 : i32
      %dma_start3A_253 = tpu.memref_slice %arg4[%multiple_of3A_251, %dma_start3A_252] : memref<1000000x128xf32, #tpu.memory_space<hbm>> -> memref<128x128xf32, #tpu.memory_space<hbm>>
      %dma_start3A_254 = arith.constant 0 : i32
      %dma_start3A_255 = tpu.memref_slice %arg4[%multiple_of3A_251, %dma_start3A_254] : memref<1000000x128xf32, #tpu.memory_space<hbm>> -> memref<128x128xf32, #tpu.memory_space<hbm>>
      tpu.enqueue_dma source(%arg12 : memref<128x128xf32, #tpu.memory_space<vmem>>) target(%dma_start3A_255 : memref<128x128xf32, #tpu.memory_space<hbm>>) target_semaphore(%arg20 : memref<!tpu.dma_semaphore, #tpu.memory_space<semaphore_mem>>)
    }
    %scan3A_64 = arith.constant 61 : i32
    %add3A_65 = arith.constant 244 : i32
    %add3A_66 = arith.addi %mul3A_26, %add3A_65 : i32
    %sub3A = arith.constant 4 : i32
    %sub3A_67 = arith.subi %add3A_66, %sub3A : i32
    %add3A_68 = arith.constant 0 : i32
    %add3A_69 = arith.addi %sub3A_67, %add3A_68 : i32
    %mul3A_70 = arith.constant 128 : i32
    %mul3A_71 = arith.muli %add3A_69, %mul3A_70 : i32
    %multiple_of3A_72 = tpu.assume_multiple %mul3A_71, 128 : i32
    %dma_wait3A = arith.constant 0 : i32
    %dma_wait3A_73 = tpu.memref_slice %arg4[%multiple_of3A_72, %dma_wait3A] : memref<1000000x128xf32, #tpu.memory_space<hbm>> -> memref<128x128xf32, #tpu.memory_space<hbm>>
    %dma_wait3A_74 = arith.constant 0 : i32
    %dma_wait3A_75 = tpu.memref_slice %arg4[%multiple_of3A_72, %dma_wait3A_74] : memref<1000000x128xf32, #tpu.memory_space<hbm>> -> memref<128x128xf32, #tpu.memory_space<hbm>>
    tpu.wait_dma2 semaphore(%arg17 : memref<!tpu.dma_semaphore, #tpu.memory_space<semaphore_mem>>) src(%arg9 : memref<128x128xf32, #tpu.memory_space<vmem>>) dst(%dma_wait3A_75 : memref<128x128xf32, #tpu.memory_space<hbm>>)
    %add3A_76 = arith.constant 244 : i32
    %add3A_77 = arith.addi %mul3A_26, %add3A_76 : i32
    %sub3A_78 = arith.constant 4 : i32
    %sub3A_79 = arith.subi %add3A_77, %sub3A_78 : i32
    %add3A_80 = arith.constant 1 : i32
    %add3A_81 = arith.addi %sub3A_79, %add3A_80 : i32
    %mul3A_82 = arith.constant 128 : i32
    %mul3A_83 = arith.muli %add3A_81, %mul3A_82 : i32
    %multiple_of3A_84 = tpu.assume_multiple %mul3A_83, 128 : i32
    %dma_wait3A_85 = arith.constant 0 : i32
    %dma_wait3A_86 = tpu.memref_slice %arg4[%multiple_of3A_84, %dma_wait3A_85] : memref<1000000x128xf32, #tpu.memory_space<hbm>> -> memref<128x128xf32, #tpu.memory_space<hbm>>
    %dma_wait3A_87 = arith.constant 0 : i32
    %dma_wait3A_88 = tpu.memref_slice %arg4[%multiple_of3A_84, %dma_wait3A_87] : memref<1000000x128xf32, #tpu.memory_space<hbm>> -> memref<128x128xf32, #tpu.memory_space<hbm>>
    tpu.wait_dma2 semaphore(%arg18 : memref<!tpu.dma_semaphore, #tpu.memory_space<semaphore_mem>>) src(%arg10 : memref<128x128xf32, #tpu.memory_space<vmem>>) dst(%dma_wait3A_88 : memref<128x128xf32, #tpu.memory_space<hbm>>)
    %add3A_89 = arith.constant 244 : i32
    %add3A_90 = arith.addi %mul3A_26, %add3A_89 : i32
    %sub3A_91 = arith.constant 4 : i32
    %sub3A_92 = arith.subi %add3A_90, %sub3A_91 : i32
    %add3A_93 = arith.constant 2 : i32
    %add3A_94 = arith.addi %sub3A_92, %add3A_93 : i32
    %mul3A_95 = arith.constant 128 : i32
    %mul3A_96 = arith.muli %add3A_94, %mul3A_95 : i32
    %multiple_of3A_97 = tpu.assume_multiple %mul3A_96, 128 : i32
    %dma_wait3A_98 = arith.constant 0 : i32
    %dma_wait3A_99 = tpu.memref_slice %arg4[%multiple_of3A_97, %dma_wait3A_98] : memref<1000000x128xf32, #tpu.memory_space<hbm>> -> memref<128x128xf32, #tpu.memory_space<hbm>>
    %dma_wait3A_100 = arith.constant 0 : i32
    %dma_wait3A_101 = tpu.memref_slice %arg4[%multiple_of3A_97, %dma_wait3A_100] : memref<1000000x128xf32, #tpu.memory_space<hbm>> -> memref<128x128xf32, #tpu.memory_space<hbm>>
    tpu.wait_dma2 semaphore(%arg19 : memref<!tpu.dma_semaphore, #tpu.memory_space<semaphore_mem>>) src(%arg11 : memref<128x128xf32, #tpu.memory_space<vmem>>) dst(%dma_wait3A_101 : memref<128x128xf32, #tpu.memory_space<hbm>>)
    %add3A_102 = arith.constant 244 : i32
    %add3A_103 = arith.addi %mul3A_26, %add3A_102 : i32
    %sub3A_104 = arith.constant 4 : i32
    %sub3A_105 = arith.subi %add3A_103, %sub3A_104 : i32
    %add3A_106 = arith.constant 3 : i32
    %add3A_107 = arith.addi %sub3A_105, %add3A_106 : i32
    %mul3A_108 = arith.constant 128 : i32
    %mul3A_109 = arith.muli %add3A_107, %mul3A_108 : i32
    %multiple_of3A_110 = tpu.assume_multiple %mul3A_109, 128 : i32
    %dma_wait3A_111 = arith.constant 0 : i32
    %dma_wait3A_112 = tpu.memref_slice %arg4[%multiple_of3A_110, %dma_wait3A_111] : memref<1000000x128xf32, #tpu.memory_space<hbm>> -> memref<128x128xf32, #tpu.memory_space<hbm>>
    %dma_wait3A_113 = arith.constant 0 : i32
    %dma_wait3A_114 = tpu.memref_slice %arg4[%multiple_of3A_110, %dma_wait3A_113] : memref<1000000x128xf32, #tpu.memory_space<hbm>> -> memref<128x128xf32, #tpu.memory_space<hbm>>
    tpu.wait_dma2 semaphore(%arg20 : memref<!tpu.dma_semaphore, #tpu.memory_space<semaphore_mem>>) src(%arg12 : memref<128x128xf32, #tpu.memory_space<vmem>>) dst(%dma_wait3A_114 : memref<128x128xf32, #tpu.memory_space<hbm>>)
    %lt3A = arith.constant 4 : i32
    %lt3A_115 = arith.cmpi slt, %add3A, %lt3A : i32
    %convert_element_type3A = arith.extui %lt3A_115 : i1 to i32
    %cond3A = arith.constant 0 : i32
    %cond3A_116 = arith.cmpi ne, %convert_element_type3A, %cond3A : i32
    scf.if %cond3A_116 {
      %add3A_121 = arith.constant 7808 : i32
      %add3A_122 = arith.addi %add3A_121, %add3A : i32
      %mul3A_123 = arith.constant 128 : i32
      %mul3A_124 = arith.muli %add3A_122, %mul3A_123 : i32
      %multiple_of3A_125 = tpu.assume_multiple %mul3A_124, 128 : i32
      %dma_start3A_126 = arith.constant 0 : i32
      %dma_start3A_127 = tpu.memref_slice %arg2[%dma_start3A_126, %multiple_of3A_125] : memref<64x1000000xf32, #tpu.memory_space<hbm>> -> memref<64x128xf32, #tpu.memory_space<hbm>>
      %dma_start3A_128 = arith.constant 0 : i32
      %dma_start3A_129 = tpu.memref_slice %arg2[%dma_start3A_128, %multiple_of3A_125] : memref<64x1000000xf32, #tpu.memory_space<hbm>> -> memref<64x128xf32, #tpu.memory_space<hbm>>
      tpu.enqueue_dma source(%dma_start3A_129 : memref<64x128xf32, #tpu.memory_space<hbm>>) target(%arg5 : memref<64x128xf32, #tpu.memory_space<vmem>>) target_semaphore(%arg13 : memref<!tpu.dma_semaphore, #tpu.memory_space<semaphore_mem>>)
      %mul3A_130 = arith.constant 128 : i32
      %mul3A_131 = arith.muli %add3A_122, %mul3A_130 : i32
      %multiple_of3A_132 = tpu.assume_multiple %mul3A_131, 128 : i32
      %dma_wait3A_133 = arith.constant 0 : i32
      %dma_wait3A_134 = tpu.memref_slice %arg2[%dma_wait3A_133, %multiple_of3A_132] : memref<64x1000000xf32, #tpu.memory_space<hbm>> -> memref<64x128xf32, #tpu.memory_space<hbm>>
      %dma_wait3A_135 = arith.constant 0 : i32
      %dma_wait3A_136 = tpu.memref_slice %arg2[%dma_wait3A_135, %multiple_of3A_132] : memref<64x1000000xf32, #tpu.memory_space<hbm>> -> memref<64x128xf32, #tpu.memory_space<hbm>>
      tpu.wait_dma2 semaphore(%arg13 : memref<!tpu.dma_semaphore, #tpu.memory_space<semaphore_mem>>) src(%dma_wait3A_136 : memref<64x128xf32, #tpu.memory_space<hbm>>) dst(%arg5 : memref<64x128xf32, #tpu.memory_space<vmem>>)
      %parallel_loop3A = arith.constant 0 : i32
      %parallel_loop3A_137 = arith.constant 64 : i32
      %parallel_loop3A_138 = arith.constant 1 : i32
      scf.for %parallel_loop3A_153 = %parallel_loop3A to %parallel_loop3A_137 step %parallel_loop3A_138  : i32 {
        %parallel_loop3A_154 = vector.broadcast %parallel_loop3A_153 : i32 to vector<16xi32>
        %parallel_loop3A_155 = arith.addi %iota3A, %parallel_loop3A_154 : vector<16xi32>
        %parallel_loop3A_156 = arith.constant 63 : i32
        %parallel_loop3A_157 = vector.broadcast %parallel_loop3A_156 : i32 to vector<16xi32>
        %parallel_loop3A_158 = arith.andi %parallel_loop3A_155, %parallel_loop3A_157 : vector<16xi32>
        %parallel_loop3A_159 = tpu.vector_load_idx %arg5[%parallel_loop3A_158, %add3A_3] : memref<64x128xf32, #tpu.memory_space<vmem>>[vector<16xi32>, vector<16xi32>], vector<16xf32>,
        tpu.vector_store_idx %arg9[%add3A_3, %parallel_loop3A_158], %parallel_loop3A_159 : memref<128x128xf32, #tpu.memory_space<vmem>>[vector<16xi32>, vector<16xi32>], vector<16xf32>,
        %parallel_loop3A_160 = tpu.vector_load_idx %arg5[%parallel_loop3A_158, %add3A_6] : memref<64x128xf32, #tpu.memory_space<vmem>>[vector<16xi32>, vector<16xi32>], vector<16xf32>,
        tpu.vector_store_idx %arg9[%add3A_6, %parallel_loop3A_158], %parallel_loop3A_160 : memref<128x128xf32, #tpu.memory_space<vmem>>[vector<16xi32>, vector<16xi32>], vector<16xf32>,
        %parallel_loop3A_161 = tpu.vector_load_idx %arg5[%parallel_loop3A_158, %add3A_9] : memref<64x128xf32, #tpu.memory_space<vmem>>[vector<16xi32>, vector<16xi32>], vector<16xf32>,
        tpu.vector_store_idx %arg9[%add3A_9, %parallel_loop3A_158], %parallel_loop3A_161 : memref<128x128xf32, #tpu.memory_space<vmem>>[vector<16xi32>, vector<16xi32>], vector<16xf32>,
        %parallel_loop3A_162 = tpu.vector_load_idx %arg5[%parallel_loop3A_158, %add3A_12] : memref<64x128xf32, #tpu.memory_space<vmem>>[vector<16xi32>, vector<16xi32>], vector<16xf32>,
        tpu.vector_store_idx %arg9[%add3A_12, %parallel_loop3A_158], %parallel_loop3A_162 : memref<128x128xf32, #tpu.memory_space<vmem>>[vector<16xi32>, vector<16xi32>], vector<16xf32>,
        %parallel_loop3A_163 = tpu.vector_load_idx %arg5[%parallel_loop3A_158, %add3A_15] : memref<64x128xf32, #tpu.memory_space<vmem>>[vector<16xi32>, vector<16xi32>], vector<16xf32>,
        tpu.vector_store_idx %arg9[%add3A_15, %parallel_loop3A_158], %parallel_loop3A_163 : memref<128x128xf32, #tpu.memory_space<vmem>>[vector<16xi32>, vector<16xi32>], vector<16xf32>,
        %parallel_loop3A_164 = tpu.vector_load_idx %arg5[%parallel_loop3A_158, %add3A_18] : memref<64x128xf32, #tpu.memory_space<vmem>>[vector<16xi32>, vector<16xi32>], vector<16xf32>,
        tpu.vector_store_idx %arg9[%add3A_18, %parallel_loop3A_158], %parallel_loop3A_164 : memref<128x128xf32, #tpu.memory_space<vmem>>[vector<16xi32>, vector<16xi32>], vector<16xf32>,
        %parallel_loop3A_165 = tpu.vector_load_idx %arg5[%parallel_loop3A_158, %add3A_21] : memref<64x128xf32, #tpu.memory_space<vmem>>[vector<16xi32>, vector<16xi32>], vector<16xf32>,
        tpu.vector_store_idx %arg9[%add3A_21, %parallel_loop3A_158], %parallel_loop3A_165 : memref<128x128xf32, #tpu.memory_space<vmem>>[vector<16xi32>, vector<16xi32>], vector<16xf32>,
        %parallel_loop3A_166 = tpu.vector_load_idx %arg5[%parallel_loop3A_158, %add3A_24] : memref<64x128xf32, #tpu.memory_space<vmem>>[vector<16xi32>, vector<16xi32>], vector<16xf32>,
        tpu.vector_store_idx %arg9[%add3A_24, %parallel_loop3A_158], %parallel_loop3A_166 : memref<128x128xf32, #tpu.memory_space<vmem>>[vector<16xi32>, vector<16xi32>], vector<16xf32>,
      } {sc.loop_unroll_factor = 4 : i64, sc.parallel_access}
      %mul3A_139 = arith.constant 128 : i32
      %mul3A_140 = arith.muli %add3A_122, %mul3A_139 : i32
      %multiple_of3A_141 = tpu.assume_multiple %mul3A_140, 128 : i32
      %dma_start3A_142 = arith.constant 0 : i32
      %dma_start3A_143 = tpu.memref_slice %arg4[%multiple_of3A_141, %dma_start3A_142] : memref<1000000x128xf32, #tpu.memory_space<hbm>> -> memref<128x128xf32, #tpu.memory_space<hbm>>
      %dma_start3A_144 = arith.constant 0 : i32
      %dma_start3A_145 = tpu.memref_slice %arg4[%multiple_of3A_141, %dma_start3A_144] : memref<1000000x128xf32, #tpu.memory_space<hbm>> -> memref<128x128xf32, #tpu.memory_space<hbm>>
      tpu.enqueue_dma source(%arg9 : memref<128x128xf32, #tpu.memory_space<vmem>>) target(%dma_start3A_145 : memref<128x128xf32, #tpu.memory_space<hbm>>) target_semaphore(%arg17 : memref<!tpu.dma_semaphore, #tpu.memory_space<semaphore_mem>>)
      %mul3A_146 = arith.constant 128 : i32
      %mul3A_147 = arith.muli %add3A_122, %mul3A_146 : i32
      %multiple_of3A_148 = tpu.assume_multiple %mul3A_147, 128 : i32
      %dma_wait3A_149 = arith.constant 0 : i32
      %dma_wait3A_150 = tpu.memref_slice %arg4[%multiple_of3A_148, %dma_wait3A_149] : memref<1000000x128xf32, #tpu.memory_space<hbm>> -> memref<128x128xf32, #tpu.memory_space<hbm>>
      %dma_wait3A_151 = arith.constant 0 : i32
      %dma_wait3A_152 = tpu.memref_slice %arg4[%multiple_of3A_148, %dma_wait3A_151] : memref<1000000x128xf32, #tpu.memory_space<hbm>> -> memref<128x128xf32, #tpu.memory_space<hbm>>
      tpu.wait_dma2 semaphore(%arg17 : memref<!tpu.dma_semaphore, #tpu.memory_space<semaphore_mem>>) src(%arg9 : memref<128x128xf32, #tpu.memory_space<vmem>>) dst(%dma_wait3A_152 : memref<128x128xf32, #tpu.memory_space<hbm>>)
    } else {
    }
    %eq3A = arith.constant 4 : i32
    %eq3A_117 = arith.cmpi eq, %add3A, %eq3A : i32
    %convert_element_type3A_118 = arith.extui %eq3A_117 : i1 to i32
    %cond3A_119 = arith.constant 0 : i32
    %cond3A_120 = arith.cmpi ne, %convert_element_type3A_118, %cond3A_119 : i32
    scf.if %cond3A_120 {
      "tpu.region"() ({
        %run_scoped3A = tpu.sem_alloc : memref<!tpu.dma_semaphore, #tpu.memory_space<semaphore_mem>>
        tpu.enqueue_dma source(%arg3 : memref<64x128xf32, #tpu.memory_space<hbm>>) target(%arg5 : memref<64x128xf32, #tpu.memory_space<vmem>>) target_semaphore(%run_scoped3A : memref<!tpu.dma_semaphore, #tpu.memory_space<semaphore_mem>>)
        tpu.wait_dma2 semaphore(%run_scoped3A : memref<!tpu.dma_semaphore, #tpu.memory_space<semaphore_mem>>) src(%arg3 : memref<64x128xf32, #tpu.memory_space<hbm>>) dst(%arg5 : memref<64x128xf32, #tpu.memory_space<vmem>>)
        tpu.yield
      }) : () -> ()
      "tpu.region"() ({
        %run_scoped3A = tpu.sem_alloc : memref<!tpu.dma_semaphore, #tpu.memory_space<semaphore_mem>>
        %dma_start3A_121 = arith.constant 999936 : i32
        %dma_start3A_122 = arith.constant 0 : i32
        %dma_start3A_123 = tpu.memref_slice %arg4[%dma_start3A_121, %dma_start3A_122] : memref<1000000x128xf32, #tpu.memory_space<hbm>> -> memref<64x128xf32, #tpu.memory_space<hbm>>
        %dma_start3A_124 = arith.constant 999936 : i32
        %dma_start3A_125 = arith.constant 0 : i32
        %dma_start3A_126 = tpu.memref_slice %arg4[%dma_start3A_124, %dma_start3A_125] : memref<1000000x128xf32, #tpu.memory_space<hbm>> -> memref<64x128xf32, #tpu.memory_space<hbm>>
        tpu.enqueue_dma source(%arg5 : memref<64x128xf32, #tpu.memory_space<vmem>>) target(%dma_start3A_126 : memref<64x128xf32, #tpu.memory_space<hbm>>) target_semaphore(%run_scoped3A : memref<!tpu.dma_semaphore, #tpu.memory_space<semaphore_mem>>)
        %dma_wait3A_127 = arith.constant 999936 : i32
        %dma_wait3A_128 = arith.constant 0 : i32
        %dma_wait3A_129 = tpu.memref_slice %arg4[%dma_wait3A_127, %dma_wait3A_128] : memref<1000000x128xf32, #tpu.memory_space<hbm>> -> memref<64x128xf32, #tpu.memory_space<hbm>>
        %dma_wait3A_130 = arith.constant 999936 : i32
        %dma_wait3A_131 = arith.constant 0 : i32
        %dma_wait3A_132 = tpu.memref_slice %arg4[%dma_wait3A_130, %dma_wait3A_131] : memref<1000000x128xf32, #tpu.memory_space<hbm>> -> memref<64x128xf32, #tpu.memory_space<hbm>>
        tpu.wait_dma2 semaphore(%run_scoped3A : memref<!tpu.dma_semaphore, #tpu.memory_space<semaphore_mem>>) src(%arg5 : memref<64x128xf32, #tpu.memory_space<vmem>>) dst(%dma_wait3A_132 : memref<64x128xf32, #tpu.memory_space<hbm>>)
        tpu.yield
      }) : () -> ()
    } else {
    }
    return
  }
}

</mosaic_0001>

<sc_bundles>
// kernel: _relayout.3.cloned.1.call-start
scs
__scs_entry_jumppad:
0x0: {  	(pc) =	sbr.rel $0x88, $3  }
0x1: {  	(tag) =	ssettag $0x0;
	lr =	simm.s32 $0x1  }
0x2: {  	[smem:$0x3F9F] =	sst lr;
	_ =	strace $0xD0000000  }
0x3: {  	_ = 	snop  }
0x4: {  	_ = 	snop  }
0x5: {  	_ = 	snop  }
0x6: {  	_ = 	snop  }
0x7: {  	_ = 	snop  }
__scs_overlays_trampoline_lowered:
0x8: {  	[smem:$0x3FAE] =	sst s0  }
0x9: {  	[smem:$0x3FAF] =	sst s1  }
0xa: {  	[smem:$0x3FB0] =	sst s2  }
0xb: {  	[smem:$0x3FB1] =	sst s3  }
0xc: {  	[smem:$0x3FB2] =	sst s4  }
0xd: {  	[smem:$0x3FB3] =	sst s5  }
0xe: {  	[smem:$0x3FB4] =	sst s6  }
0xf: {  	[smem:$0x3FB5] =	sst s7  }
0x10: {  	[smem:$0x3FB6] =	sst s8  }
0x11: {  	[smem:$0x3FB7] =	sst s9;
	s0 =	simm.s32 @!p0 $0x0  }
0x12: {  	s1 =	sld [smem:$0x3F9D];
	s0 =	simm.s32 @p0 $0x1  }
0x13: {  	[smem:$0x3FB8] =	sst s0;
	s0 =	simm.s32 @!p1 $0x0  }
0x14: {  	s2 =	sld [smem:$0x3F9C];
	s0 =	simm.s32 @p1 $0x1  }
0x15: {  	[smem:$0x3FB9] =	sst s0;
	s0 =	simm.s32 @!p2 $0x0  }
0x16: {  	s3 =	sld [smem:$0x3FDB];
	s0 =	simm.s32 @p2 $0x1  }
0x17: {  	s4 =	simm.s32 $0x1BF5;
	[smem:$0x3FBB] =	sst s0  }
0x18: {  	s0 =	sld [smem:$0x3F9E];
	_ =	swait.ge [sflag:s4], $0x0  }
0x19: {  	s7 =	sld [smem:$0x3F9F]  }
0x1a: {  	s8 =	sadd.s32 $0xFFFFE003, lr  }
0x1b: {  	s9 =	sadd.s32 $0xFFFFFEF7, lr;
	s5 =	simm.s32 $0xFFFFFFFF;
	p2 =	slt.u32 s8, $0xFFFFF086  }
0x1c: {  	p1 =	slt.u32 s9, $0xF7A;
	s5 =	simm.s32 @!p2 $0x0  }
0x1d: {  	s5 =	simm.s32 @p1 $0x1;
	p0 =	seq.s32 s7, s2  }
0x1e: {  	s7 =	smul.u32 @!p0 $0xF7A, s2;
	p2 =	seq.s32 @!p0 s5, $0x0  }
0x1f: {  	s9 =	smul.u32 $0xF7A, s1;
	s8 =	simm.s32 @!p0 $0x1BF5;
	p2 =	por !p2, p0  }
0x20: {  	[sflag:s8] =	ssyncset.s32 @!p0 $0xFFFFF086;
	s6 =	sadd.s32 @!p0 s3, s7;
	s7 =	simm.s32 @!p0 $0x108  }
0x21: {  	s3 =	sadd.s32 s3, s9;
	s6 =	sadd.s32 @!p0 $0x88, s6;
	s7 =	simm.s32 @p2 $0x1082  }
0x22: {  	[simem:s7], [sflag:s8] =	dma.local @!p0 [hbm:s6], $0xF7A  }
0x23: {  	s9 =	sor.u32 $0xD0000000, s2;
	s6 =	simm.s32 $0x108;
	_ =	swait.ge @!p0 [sflag:s8], $0x0  }
0x24: {  	s3 =	sadd.s32 $0x88, s3;
	s6 =	simm.s32 @!p1 $0x1082;
	[sflag:s4] =	ssyncset.s32 $0xFFFFF086  }
0x25: {  	[simem:s6], [sflag:s4] =	dma.local [hbm:s3], $0xF7A  }
0x26: {  	[smem:$0x3F9F] =	sst s1;
	(tag) =	ssettag s2;
	_ =	strace s9  }
0x27: {  	s1 =	sld [smem:$0x3FAF]  }
0x28: {  	s2 =	sld [smem:$0x3FB0]  }
0x29: {  	s4 =	sld [smem:$0x3FB2]  }
0x2a: {  	p0 =	seq.s32 s5, $0x0;
	s5 =	sld [smem:$0x3FB3]  }
0x2b: {  	s6 =	sld [smem:$0x3FB4]  }
0x2c: {  	s7 =	sld [smem:$0x3FB5]  }
0x2d: {  	s3 =	simm.s32 $0x108;
	s8 =	sld [smem:$0x3FB6]  }
0x2e: {  	s3 =	simm.s32 @!p0 $0x1082;
	s9 =	sld [smem:$0x3FB7]  }
0x2f: {  	lr =	sadd.s32 s0, s3;
	s0 =	sld [smem:$0x3FAE]  }
0x30: {  	s3 =	sld [smem:$0x3FB1]  }
0x31: {  	[smem:$0x3FBA] =	sst s10  }
0x32: {  	s10 =	sld [smem:$0x3FB8];
	_ =	sdelay $0x3  }
0x33: {  	p0 =	seq.s32 s10, $0x1;
	s10 =	sld [smem:$0x3FBA];
	_ =	sdelay $0x3  }
0x34: {  	[smem:$0x3FBA] =	sst s10  }
0x35: {  	s10 =	sld [smem:$0x3FB9];
	_ =	sdelay $0x3  }
0x36: {  	p1 =	seq.s32 s10, $0x1;
	s10 =	sld [smem:$0x3FBA];
	_ =	sdelay $0x3  }
0x37: {  	[smem:$0x3FBA] =	sst s10  }
0x38: {  	s10 =	sld [smem:$0x3FBB]  }
0x39: {  	_ = 	snop;
	(pc) =	sbr.ind lr, $3  }
0x3a: {  	_ = 	snop  }
0x3b: {  	_ = 	snop  }
0x3c: {  	p2 =	seq.s32 s10, $0x1;
	s10 =	sld [smem:$0x3FBA]  }
0x3d: {  	_ =	shalt  }
0x3e: {  	_ =	shalt  }
0x3f: {  	_ =	shalt  }
0x40: {  	_ =	shalt  }
0x41: {  	_ =	shalt  }
0x42: {  	_ =	shalt  }
0x43: {  	_ =	shalt  }
0x44: {  	_ =	shalt  }
0x45: {  	_ =	shalt  }
0x46: {  	_ =	shalt  }
0x47: {  	_ =	shalt  }
0x48: {  	_ =	shalt  }
0x49: {  	_ =	shalt  }
0x4a: {  	_ =	shalt  }
0x4b: {  	_ =	shalt  }
0x4c: {  	_ =	shalt  }
0x4d: {  	_ =	shalt  }
0x4e: {  	_ =	shalt  }
0x4f: {  	_ =	shalt  }
0x50: {  	_ =	shalt  }
0x51: {  	_ =	shalt  }
0x52: {  	_ =	shalt  }
0x53: {  	_ =	shalt  }
0x54: {  	_ =	shalt  }
0x55: {  	_ =	shalt  }
0x56: {  	_ =	shalt  }
0x57: {  	_ =	shalt  }
0x58: {  	_ =	shalt  }
0x59: {  	_ =	shalt  }
0x5a: {  	_ =	shalt  }
0x5b: {  	_ =	shalt  }
0x5c: {  	_ =	shalt  }
0x5d: {  	_ =	shalt  }
0x5e: {  	_ =	shalt  }
0x5f: {  	_ =	shalt  }
0x60: {  	_ =	shalt  }
0x61: {  	_ =	shalt  }
0x62: {  	_ =	shalt  }
0x63: {  	_ =	shalt  }
0x64: {  	_ =	shalt  }
0x65: {  	_ =	shalt  }
0x66: {  	_ =	shalt  }
0x67: {  	_ =	shalt  }
0x68: {  	_ =	shalt  }
0x69: {  	_ =	shalt  }
0x6a: {  	_ =	shalt  }
0x6b: {  	_ =	shalt  }
0x6c: {  	_ =	shalt  }
0x6d: {  	_ =	shalt  }
0x6e: {  	_ =	shalt  }
0x6f: {  	_ =	shalt  }
0x70: {  	_ =	shalt  }
0x71: {  	_ =	shalt  }
0x72: {  	_ =	shalt  }
0x73: {  	_ =	shalt  }
0x74: {  	_ =	shalt  }
0x75: {  	_ =	shalt  }
0x76: {  	_ =	shalt  }
0x77: {  	_ =	shalt  }
0x78: {  	_ =	shalt  }
0x79: {  	_ =	shalt  }
0x7a: {  	_ =	shalt  }
0x7b: {  	_ =	shalt  }
0x7c: {  	_ =	shalt  }
0x7d: {  	_ =	shalt  }
0x7e: {  	_ =	shalt  }
0x7f: {  	_ =	shalt  }
0x80: {  	_ =	shalt  }
0x81: {  	_ =	shalt  }
0x82: {  	_ =	shalt  }
0x83: {  	_ =	shalt  }
0x84: {  	_ =	shalt  }
0x85: {  	_ =	shalt  }
0x86: {  	_ =	shalt  }
0x87: {  	_ =	shalt  }
.Lfunc_end0:
.L_simem_size_0:
called_computation_lowered:
.L_overlay_start_0:
0x88: {  	s2 =	sld [smem:$0x3FD9]  }
0x89: {  	s3 =	sld [smem:$0x3FFE];
	_ =	sdelay $0x1  }
0x8a: {  	s1 =	srdreg.scid  }
0x8b: {  	s0 =	sand.u32 $0x1, s1  }
0x8c: {  	s18 =	sshll.u32 s0, $0xA;
	s2 =	sadd.s32 s3, s2  }
0x8d: {  	s2 =	sadd.s32 s2, s18  }
0x8e: {  	[smem:$0x3FC6] =	sst s2  }
0x8f: {  	_ = 	snop  }
0x90: {  	s2 =	sld [smem:$0x3FC9]  }
0x91: {  	s19 =	sld [smem:$0x3FC8]  }
0x92: {  	s4 =	sld [smem:$0x3FD0];
	(tm) =	ssettm $0x1  }
0x93: {  	s5 =	sld [smem:$0x3FFB];
	_ =	sdelay $0x3  }
0x94: {  	_ =	strace s5  }
0x95: {  	s5 =	sld [smem:$0x3FFC];
	_ =	sdelay $0x3  }
0x96: {  	_ =	strace s5  }
0x97: {  	s5 =	sld [smem:$0x3FFD];
	_ =	sdelay $0x3  }
0x98: {  	_ =	strace s5  }
0x99: {  	_ =	strace $0x8FFFFFFF  }
0x9a: {  	s20 =	sld [smem:$0x3FDB];
	_ =	sdelay $0x1  }
0x9b: {  	s6 =	simm.s32 $_scs_section_size  }
0x9c: {  	s7 =	simm.s32 $_size__tile_overlayer_lowered;
	s8 =	simm.s32 $_tile_overlayer_lowered  }
0x9d: {  	s23 =	simm.s32 $0x1BFF;
	s22 =	sshll.u32 s8, $0x1;
	s5 =	sadd.s32 s6, s20  }
0x9e: {  	s9 =	simm.s32 $0x0;
	s21 =	sshll.u32 s7, $0x1;
	s7 =	sadd.s32 s22, s5  }
0x9f: {  	[timem:s9], [sflag:s23] =	dma.local [hbm:s7], s21  }
0xa0: {  	_ =	swait.ge [sflag:s23], s21  }
0xa1: {  	s6 =	ssub.s32 $0x0, s21;
	[sflag:s23] =	ssyncset.done $0x0  }
0xa2: {  	[sflag:s23] =	ssyncadd.s32 s6;
	_ =	sdelay $0x1  }
0xa3: {  	s24 =	simm.s32 $0x1B8B  }
0xa4: {  	_ =	swait.ge [sflag:s24], $0x1  }
0xa5: {  	[sflag:s24] =	ssyncset.done $0x0  }
0xa6: {  	s25 =	simm.s32 $0x1B8E;
	[sflag:s24] =	ssyncadd.s32 $0xFFFFFFFF  }
0xa7: {  	s26 =	simm.s32 $execute0_lowered;
	[smem:$0x3FD2] =	sst s25  }
0xa8: {  	s6 =	sshll.u32 s26, $0x1;
	_ =	strace $0x80000046;
	[dreg:$0x1] =	wrdreg $0xFFFFFFFF  }
0xa9: {  	s28 =	simm.s32 $_size_execute0_lowered;
	s5 =	sadd.s32 s5, s6;
	[dreg:$0x0] =	wrdreg $0x0  }
0xaa: {  	s6 =	sshll.u32 s28, $0x1;
	[dreg:$0x2] =	wrdreg s5  }
0xab: {  	[dreg:$0x3] =	wrdreg s6  }
0xac: {  	[dreg:$0x4] =	wrdreg $0xC0  }
0xad: {  	_ =	task [dreg:s9], $0x5FFFF  }
0xae: {  	[dreg:$0x1] =	wrdreg $0xFFFFFFFF  }
0xaf: {  	[dreg:$0x0] =	wrdreg $0x60  }
0xb0: {  	[dreg:$0x2] =	wrdreg s2  }
0xb1: {  	[dreg:$0x3] =	wrdreg s19  }
0xb2: {  	[dreg:$0x4] =	wrdreg s4  }
0xb3: {  	[dreg:$0x5] =	wrdreg $0x9  }
0xb4: {  	_ =	task.clear_ibuf [dreg:s9], $0x6FFFF;
	_ =	strace $0x90000046  }
0xb5: {  	s29 =	simm.s32 $0x9;
	_ =	strace $0x80000048  }
0xb6: {  	_ =	swait.ge [sflag:s29], $0x1  }
0xb7: {  	[sflag:s29] =	ssyncadd.s32 $0xFFFFFFFF  }
0xb8: {  	_ =	strace $0x90000048  }
0xb9: {  	_ =	sfence  }
0xba: {  	s30 =	sld [smem:$0x0];
	_ =	sdelay $0x2  }
0xbb: {  	s31 =	sshll.u32 s1, $0xD;
	s1 =	sshrl.u32 s1, $0x2  }
0xbc: {  	s3 =	sand.u32 $0x4000, s31;
	s1 =	sadd.s32 s1, s30  }
0xbd: {  	s0 =	sor.u32 s3, s0;
	s1 =	sshll.u32 s1, $0x11  }
0xbe: {  	s0 =	sor.u32 s1, s0  }
0xbf: {  	s0 =	sadd.s32 $0x8F2B, s0  }
0xc0: {  	[sflag:s0] =	ssyncadd.remote.s32 $0x1  }
0xc1: {  	_ =	sfence.sel $0xFFFF  }
0xc2: {  	[dreg:$0x0] =	wrdreg $0xFFFFFFFF;
	(pc) =	sbr.abs _section_cstart, $3  }
0xc3: {  	[dreg:$0x1] =	wrdreg $0xFFFFFFFF  }
0xc4: {  	_ =	task.clear_ibuf [dreg:s9], $0x2FFFF;
	_ =	strace $0x9FFFFFFF  }
0xc5: {  	(tm) =	ssettm $0x7FFFFFFF  }
tec
execute0_lowered:
.L_overlay_start_1:
0x0: {  	(tag) =	ssettag $0x1  }
0x1: {  	s0 =	rddreg [dreg:$0x0]  }
0x2: {  	s3 =	rddreg [dreg:$0x2]  }
0x3: {  	s1 =	srdreg.scid;
	s9 =	stileid.u32  }
0x4: {  	s4 =	simm.s32 $0x0;
	s15 =	simm.s32 $0x400;
	s16 =	simm.s32 $0x7A1400  }
0x5: {  	s17 =	simm.s32 $0x2000;
	s18 =	simm.s32 $0x4000;
	s19 =	simm.s32 $0x6000  }
0x6: {  	s28 =	simm.s32 $0x14000;
	s29 =	simm.s32 $0x5;
	s30 =	simm.s32 $0x6  }
0x7: {  	s31 =	simm.s32 $0x7;
	s1 =	sand.u32 $0x1, s1;
	s2 =	sshll.u32 s9, $0x1  }
0x8: {  	[smem:$0x7FF] =	sst s4;
	s10 =	sadd.s32 $0x200, s0;
	s25 =	sadd.s32 $0xF42000, s3  }
0x9: {  	p1 =	sgt.u32 s9, $0x1;
	s5 =	ssub.s32 $0x2, s1;
	s1 =	sor.u32 s1, s2  }
0xa: {  	_ =	strace $0x80000047;
	[dreg:$0x9] =	wrdreg s25;
	s25 =	simm.s32 $0x10000  }
0xb: {  	s20 =	sshrl.u32 s5, $0x1;
	s6 =	smul.u32 $0x7A00, s1;
	s7 =	sshll.u32 s1, $0x7  }
0xc: {  	p0 =	sne.s32 s1, $0x4;
	s2 =	ssub.s32 s5, s20;
	s7 =	sor.u32 $0xF4000, s7  }
0xd: {  	s5 =	smul.u32 $0xF4, s1;
	s6 =	sadd.s32 s0, s6;
	s0 =	sadd.s32 s0, s7  }
0xe: {  	s20 =	simm.s32 $0x1;
	s26 =	smax.u32 s2, $0x1;
	[dreg:$0x7] =	wrdreg s0  }
0xf: {  	v0 =	vlaneseq.u32;
	s1 =	simm.s32 $0x0;
	s8 =	sadd.s32 $0x80, s6;
	[dreg:$0xa] =	wrdreg s26  }
.Ltmp0:
0x10: {  	v1 =	vmul.u32 $0x80, v0;
	v2 =	vor.u32 $0x10, v0;
	v4 =	vor.u32 $0x20, v0;
	s21 =	sadd.s32 $0x100, s6;
	[dreg:$0x4] =	wrdreg s8;
	(pc) =	sbr.rel .LBB2_1-.Ltmp0, $4  }
0x11: {  	v6 =	vor.u32 $0x30, v0;
	v8 =	vor.u32 $0x40, v0;
	v10 =	vor.u32 $0x50, v0;
	s23 =	sshll.u32 s7, $0x4;
	s22 =	sadd.s32 $0x180, s6;
	[dreg:$0x5] =	wrdreg s21  }
0x12: {  	v12 =	vor.u32 $0x60, v0;
	v14 =	vor.u32 $0x70, v0;
	v3 =	vor.u32 $0x800, v1;
	s24 =	sadd.s32 s3, s23;
	s23 =	simm.s32 $0xC000;
	[dreg:$0x6] =	wrdreg s22  }
0x13: {  	v5 =	vor.u32 $0x1000, v1;
	v7 =	vor.u32 $0x1800, v1;
	v9 =	vor.u32 $0x2000, v1;
	s26 =	simm.s32 $0x4;
	s0 =	simm.s32 $0x8;
	[dreg:$0x8] =	wrdreg s24  }
0x14: {  	v11 =	vor.u32 $0x2800, v1;
	v13 =	vor.u32 $0x3000, v1;
	v15 =	vor.u32 $0x3800, v1;
	s21 =	simm.s32 $0x8000;
	s22 =	simm.s32 $0x2;
	s24 =	simm.s32 $0x3  }
.LBB2_15:
0x15: {  	s2 =	simm.s32 @!p0 $0x0;
	s7 =	rddreg [dreg:$0x1]  }
0x16: {  	[tilespmem:s2], [sflag:$0x9] =	stream.linear.gather @!p0 [hbm4b:s7+s2], $0x2000, $0x38;
	[tilespmem:$0x18000] =	vst v63  }
0x17: {  	s7 =	simm.s32 @!p0 $0x9  }
0x18: {  	_ =	swait.ge @!p0 [sflag:s7], $0x2000  }
0x19: {  	[sflag:s7] =	ssyncset.done @!p0 $0x0  }
0x1a: {  	s8 =	rddreg [dreg:$0x9];
	[sflag:s7] =	ssyncadd.s32 @!p0 $0xFFFFE000  }
0x1b: {  	[hbm4b:s8+s2] =	stream.linear.scatter @!p0 [tilespmem:s2], [sflag:$0x9], $0x2000, $0x38;
	[tilespmem:$0x18000] =	vst v63  }
0x1c: {  	_ =	swait.ge @!p0 [sflag:s7], $0x2000  }
0x1d: {  	s1 =	sadd.s32 $0x1, s1;
	s14 =	rddreg [dreg:$0xa]  }
0x1e: {  	p2 =	sne.s32 s1, s14  }
.Ltmp1:
0x1f: {  	_ = 	snop;
	(pc) =	sbr.rel @!p2 .LBB2_16-.Ltmp1, $3  }
0x20: {  	_ =	sdelay $0x1  }
0x21: {  	[sflag:s7] =	ssyncset.done @!p0 $0x0  }
0x22: {  	[sflag:s7] =	ssyncadd.s32 @!p0 $0xFFFFE000  }
.LBB2_1:
0x23: {  	[tilespmem:s4], [sflag:$0x1] =	stream.strided.gather [hbm4b:s6+s15], $0x2000, s16, s15, $0x38;
	[tilespmem:$0x18000] =	vst v63  }
0x24: {  	s2 =	rddreg [dreg:$0x4]  }
0x25: {  	[tilespmem:s17], [sflag:$0x2] =	stream.strided.gather [hbm4b:s2+s15], $0x2000, s16, s15, $0x38;
	[tilespmem:$0x18000] =	vst v63  }
0x26: {  	s13 =	rddreg [dreg:$0x5]  }
0x27: {  	[tilespmem:s18], [sflag:$0x3] =	stream.strided.gather [hbm4b:s13+s15], $0x2000, s16, s15, $0x38;
	[tilespmem:$0x18000] =	vst v63  }
0x28: {  	s14 =	rddreg [dreg:$0x6];
	s2 =	simm.s32 $0x0  }
0x29: {  	[tilespmem:s19], [sflag:$0x4] =	stream.strided.gather [hbm4b:s14+s15], $0x2000, s16, s15, $0x38;
	[tilespmem:$0x18000] =	vst v63  }
.LBB2_2:
0x2a: {  	s7 =	simm.s32 $0x0  }
0x2b: {  	v16 =	vadd.s32 s7, v0  }
0x2c: {  	s8 =	simm.s32 $0x2;
	v37 =	vand.u32 $0x3F, v16  }
0x2d: {  	_ =	swait.ge [sflag:s20], $0x2000;
	v16 =	vadd.s32 s8, v0;
	v36 =	vshll.u32 v37, $0x7  }
0x2e: {  	p2 =	seq.s32 s2, $0x0;
	s9 =	simm.s32 $0x1;
	[sflag:s20] =	ssyncset.done $0x0;
	v30 =	vand.u32 $0x3F, v16;
	v17 =	vor.u32 v0, v36  }
0x2f: {  	s11 =	simm.s32 $0x3;
	[sflag:s20] =	ssyncadd.s32 $0xFFFFE000;
	s8 =	simm.s32 @!p2 $0x5;
	v16 =	vadd.s32 s9, v0;
	v31 =	vshll.u32 v30, $0x7  }
0x30: {  	v18 =	vadd.s32 s11, v0;
	_ =	swait.ge @!p2 [sflag:s8], $0x4000;
	v34 =	vand.u32 $0x3F, v16;
	v16 =	vor.u32 v0, v31  }
0x31: {  	v32 =	vand.u32 $0x3F, v18;
	[sflag:s8] =	ssyncset.done @!p2 $0x0;
	v35 =	vshll.u32 v34, $0x7  }
0x32: {  	v33 =	vshll.u32 v32, $0x7;
	[sflag:s8] =	ssyncadd.s32 @!p2 $0xFFFFC000;
	v18 =	vor.u32 v0, v35  }
0x33: {  	v20 =	vor.u32 v1, v37;
	v19 =	vor.u32 v0, v33;
	v17 =	vld.idx.msk [tilespmem:v17+s4+$0x0], $0xffff  }
0x34: {  	v21 =	vor.u32 v2, v36  }
0x35: {  	v22 =	vor.u32 v1, v30;
	v16 =	vld.idx.msk [tilespmem:v16+s4+$0x0], $0xffff  }
0x36: {  	v23 =	vor.u32 v2, v31  }
0x37: {  	v24 =	vor.u32 v1, v34;
	v18 =	vld.idx.msk [tilespmem:v18+s4+$0x0], $0xffff  }
0x38: {  	v19 =	vld.idx.msk [tilespmem:v19+s4+$0x0], $0xffff;
	[tilespmem:v20+s21+$0x0] =	vst.idx.msk $0xffff, v17;
	v17 =	vor.u32 v1, v32;
	v20 =	vor.u32 v2, v35  }
0x39: {  	v25 =	vor.u32 v3, v37;
	v26 =	vor.u32 v2, v33;
	v21 =	vld.idx.msk [tilespmem:v21+s4+$0x0], $0xffff  }
0x3a: {  	[tilespmem:v22+s21+$0x0] =	vst.idx.msk $0xffff, v16;
	v16 =	vor.u32 v4, v36  }
0x3b: {  	v22 =	vld.idx.msk [tilespmem:v23+s4+$0x0], $0xffff;
	v23 =	vor.u32 v3, v30  }
0x3c: {  	[tilespmem:v24+s21+$0x0] =	vst.idx.msk $0xffff, v18;
	v18 =	vor.u32 v4, v31  }
0x3d: {  	[tilespmem:v17+s21+$0x0] =	vst.idx.msk $0xffff, v19;
	v17 =	vld.idx.msk [tilespmem:v20+s4+$0x0], $0xffff;
	v19 =	vor.u32 v3, v34  }
0x3e: {  	v24 =	vor.u32 v3, v32;
	[tilespmem:v25+s21+$0x0] =	vst.idx.msk $0xffff, v21;
	v20 =	vld.idx.msk [tilespmem:v26+s4+$0x0], $0xffff;
	v21 =	vor.u32 v4, v35  }
0x3f: {  	v26 =	vor.u32 v5, v37;
	v25 =	vld.idx.msk [tilespmem:v16+s4+$0x0], $0xffff  }
0x40: {  	[tilespmem:v23+s21+$0x0] =	vst.idx.msk $0xffff, v22;
	v22 =	vor.u32 v6, v36  }
0x41: {  	v27 =	vor.u32 v5, v30;
	v23 =	vor.u32 v4, v33;
	v18 =	vld.idx.msk [tilespmem:v18+s4+$0x0], $0xffff  }
0x42: {  	v38 =	vor.u32 v9, v37;
	v58 =	vor.u32 v7, v32;
	[tilespmem:v19+s21+$0x0] =	vst.idx.msk $0xffff, v17  }
0x43: {  	v19 =	vor.u32 v6, v31;
	v21 =	vld.idx.msk [tilespmem:v21+s4+$0x0], $0xffff;
	[tilespmem:v24+s21+$0x0] =	vst.idx.msk $0xffff, v20;
	v20 =	vor.u32 v5, v34  }
0x44: {  	v50 =	vor.u32 v15, v37;
	v24 =	vor.u32 v6, v35;
	[tilespmem:v26+s21+$0x0] =	vst.idx.msk $0xffff, v25  }
0x45: {  	v62 =	vor.u32 v11, v37;
	v29 =	vor.u32 v10, v36;
	v26 =	vor.u32 v7, v37;
	v22 =	vld.idx.msk [tilespmem:v22+s4+$0x0], $0xffff  }
0x46: {  	v25 =	vor.u32 v5, v32;
	v28 =	vld.idx.msk [tilespmem:v23+s4+$0x0], $0xffff;
	[tilespmem:v27+s21+$0x0] =	vst.idx.msk $0xffff, v18;
	v27 =	vor.u32 v8, v36  }
0x47: {  	s11 =	simm.s32 $0x4;
	v40 =	vor.u32 v7, v30;
	v42 =	vor.u32 v6, v33;
	v46 =	vor.u32 v9, v30  }
0x48: {  	v48 =	vor.u32 v8, v33;
	v18 =	vadd.s32 s11, v0;
	v19 =	vld.idx.msk [tilespmem:v19+s4+$0x0], $0xffff;
	[tilespmem:v20+s21+$0x0] =	vst.idx.msk $0xffff, v21  }
0x49: {  	s12 =	simm.s32 $0x5;
	v39 =	vor.u32 v7, v34;
	v18 =	vand.u32 $0x3F, v18;
	v21 =	vor.u32 v8, v31;
	v43 =	vld.idx.msk [tilespmem:v24+s4+$0x0], $0xffff  }
0x4a: {  	s14 =	simm.s32 $0x6;
	v41 =	vor.u32 v8, v35;
	v23 =	vshll.u32 v18, $0x7;
	v20 =	vadd.s32 s12, v0;
	[tilespmem:v26+s21+$0x0] =	vst.idx.msk $0xffff, v22  }
0x4b: {  	s13 =	simm.s32 $0x7;
	v44 =	vor.u32 v0, v23;
	v20 =	vand.u32 $0x3F, v20;
	[tilespmem:v25+s21+$0x0] =	vst.idx.msk $0xffff, v28;
	v22 =	vadd.s32 s14, v0;
	v28 =	vld.idx.msk [tilespmem:v27+s4+$0x0], $0xffff  }
0x4c: {  	v24 =	vadd.s32 s13, v0;
	v26 =	vand.u32 $0x3F, v22;
	v27 =	vshll.u32 v20, $0x7  }
0x4d: {  	v25 =	vand.u32 $0x3F, v24;
	v63 =	vld.idx.msk [tilespmem:v42+s4+$0x0], $0xffff;
	[tilespmem:v40+s21+$0x0] =	vst.idx.msk $0xffff, v19;
	v24 =	vshll.u32 v26, $0x7;
	v57 =	vor.u32 v0, v27  }
0x4e: {  	v54 =	vor.u32 v12, v36;
	v40 =	vld.idx.msk [tilespmem:v21+s4+$0x0], $0xffff;
	v45 =	vor.u32 v0, v24;
	[tilespmem:v39+s21+$0x0] =	vst.idx.msk $0xffff, v43  }
0x4f: {  	v47 =	vor.u32 v9, v34;
	v52 =	vor.u32 v10, v35;
	v22 =	vshll.u32 v25, $0x7;
	v41 =	vld.idx.msk [tilespmem:v41+s4+$0x0], $0xffff  }
0x50: {  	v60 =	vor.u32 v1, v18;
	v49 =	vor.u32 v0, v22;
	v59 =	vld.idx.msk [tilespmem:v44+s4+$0x0], $0xffff;
	[tilespmem:v38+s21+$0x0] =	vst.idx.msk $0xffff, v28  }
0x51: {  	v16 =	vor.u32 v15, v32;
	v17 =	vor.u32 v15, v30;
	v61 =	vor.u32 v2, v23;
	v51 =	vld.idx.msk [tilespmem:v29+s4+$0x0], $0xffff  }
0x52: {  	v37 =	vor.u32 v13, v37;
	v36 =	vor.u32 v14, v36;
	v19 =	vor.u32 v15, v26;
	v42 =	vld.idx.msk [tilespmem:v57+s4+$0x0], $0xffff  }
0x53: {  	v53 =	vor.u32 v1, v26;
	v55 =	vor.u32 v2, v27;
	[tilespmem:v58+s21+$0x0] =	vst.idx.msk $0xffff, v63;
	v45 =	vld.idx.msk [tilespmem:v45+s4+$0x0], $0xffff  }
0x54: {  	v39 =	vor.u32 v1, v20;
	v63 =	vor.u32 v2, v24;
	[tilespmem:v47+s21+$0x0] =	vst.idx.msk $0xffff, v41;
	v41 =	vld.idx.msk [tilespmem:v48+s4+$0x0], $0xffff  }
0x55: {  	[tilespmem:v60+s21+$0x0] =	vst.idx.msk $0xffff, v59;
	v47 =	vld.idx.msk [tilespmem:v49+s4+$0x0], $0xffff;
	v48 =	vor.u32 v10, v31;
	v49 =	vor.u32 v9, v32  }
0x56: {  	v21 =	vor.u32 v15, v25;
	v57 =	vor.u32 v1, v25;
	[tilespmem:v46+s21+$0x0] =	vst.idx.msk $0xffff, v40;
	v40 =	vld.idx.msk [tilespmem:v61+s4+$0x0], $0xffff  }
0x57: {  	v58 =	vor.u32 v10, v33;
	v60 =	vor.u32 v3, v18;
	v44 =	vld.idx.msk [tilespmem:v52+s4+$0x0], $0xffff;
	[tilespmem:v62+s21+$0x0] =	vst.idx.msk $0xffff, v51  }
0x58: {  	v59 =	vor.u32 v11, v34;
	v61 =	vor.u32 v2, v22;
	[tilespmem:v53+s21+$0x0] =	vst.idx.msk $0xffff, v45;
	v53 =	vld.idx.msk [tilespmem:v54+s4+$0x0], $0xffff  }
0x59: {  	v43 =	vor.u32 v12, v35;
	v62 =	vor.u32 v4, v23;
	[tilespmem:v39+s21+$0x0] =	vst.idx.msk $0xffff, v42;
	v39 =	vld.idx.msk [tilespmem:v63+s4+$0x0], $0xffff  }
0x5a: {  	v35 =	vor.u32 v14, v35;
	v63 =	vor.u32 v3, v26;
	v48 =	vld.idx.msk [tilespmem:v48+s4+$0x0], $0xffff;
	[tilespmem:v49+s21+$0x0] =	vst.idx.msk $0xffff, v41  }
0x5b: {  	v41 =	vor.u32 v4, v24;
	[tilespmem:v57+s21+$0x0] =	vst.idx.msk $0xffff, v47;
	v57 =	vor.u32 v11, v30;
	v49 =	vld.idx.msk [tilespmem:v55+s4+$0x0], $0xffff  }
0x5c: {  	v28 =	vor.u32 v15, v34;
	[tilespmem:v60+s21+$0x0] =	vst.idx.msk $0xffff, v40;
	v47 =	vld.idx.msk [tilespmem:v58+s4+$0x0], $0xffff;
	v58 =	vor.u32 v11, v32  }
0x5d: {  	v60 =	vor.u32 v12, v31;
	[tilespmem:v59+s21+$0x0] =	vst.idx.msk $0xffff, v44;
	v59 =	vor.u32 v3, v20;
	v45 =	vld.idx.msk [tilespmem:v61+s4+$0x0], $0xffff  }
0x5e: {  	v52 =	vor.u32 v4, v27;
	v61 =	vor.u32 v3, v25;
	v51 =	vld.idx.msk [tilespmem:v62+s4+$0x0], $0xffff;
	[tilespmem:v37+s21+$0x0] =	vst.idx.msk $0xffff, v53  }
0x5f: {  	v62 =	vor.u32 v5, v18;
	v42 =	vld.idx.msk [tilespmem:v43+s4+$0x0], $0xffff;
	[tilespmem:v63+s21+$0x0] =	vst.idx.msk $0xffff, v39;
	v63 =	vor.u32 v4, v22  }
0x60: {  	v43 =	vor.u32 v6, v23;
	v53 =	vor.u32 v13, v34;
	v41 =	vld.idx.msk [tilespmem:v41+s4+$0x0], $0xffff;
	[tilespmem:v57+s21+$0x0] =	vst.idx.msk $0xffff, v48  }
0x61: {  	v38 =	vor.u32 v5, v26;
	v29 =	vor.u32 v14, v33;
	v57 =	vld.idx.msk [tilespmem:v36+s4+$0x0], $0xffff;
	[tilespmem:v58+s21+$0x0] =	vst.idx.msk $0xffff, v47  }
0x62: {  	[tilespmem:v59+s21+$0x0] =	vst.idx.msk $0xffff, v49;
	v58 =	vor.u32 v6, v24;
	v59 =	vld.idx.msk [tilespmem:v60+s4+$0x0], $0xffff;
	v60 =	vor.u32 v12, v33  }
0x63: {  	[tilespmem:v61+s21+$0x0] =	vst.idx.msk $0xffff, v45;
	v61 =	vor.u32 v13, v30;
	v30 =	vor.u32 v13, v32;
	v52 =	vld.idx.msk [tilespmem:v52+s4+$0x0], $0xffff  }
0x64: {  	[tilespmem:v62+s21+$0x0] =	vst.idx.msk $0xffff, v51;
	v62 =	vor.u32 v5, v20;
	v32 =	vld.idx.msk [tilespmem:v63+s4+$0x0], $0xffff;
	v63 =	vor.u32 v14, v31  }
0x65: {  	v46 =	vor.u32 v7, v26;
	v33 =	vld.idx.msk [tilespmem:v43+s4+$0x0], $0xffff;
	[tilespmem:v53+s21+$0x0] =	vst.idx.msk $0xffff, v42;
	v31 =	vor.u32 v6, v27  }
0x66: {  	v34 =	vor.u32 v5, v25;
	v37 =	vor.u32 v10, v23;
	v39 =	vld.idx.msk [tilespmem:v35+s4+$0x0], $0xffff;
	[tilespmem:v38+s21+$0x0] =	vst.idx.msk $0xffff, v41  }
0x67: {  	v36 =	vor.u32 v7, v18;
	v45 =	vor.u32 v8, v23;
	[tilespmem:v50+s21+$0x0] =	vst.idx.msk $0xffff, v57;
	v44 =	vld.idx.msk [tilespmem:v58+s4+$0x0], $0xffff  }
0x68: {  	s11 =	sshll.u32 s2, $0x2;
	v47 =	vor.u32 v8, v24;
	v42 =	vor.u32 v7, v20;
	[tilespmem:v61+s21+$0x0] =	vst.idx.msk $0xffff, v59;
	v40 =	vld.idx.msk [tilespmem:v60+s4+$0x0], $0xffff  }
0x69: {  	s7 =	simm.s32 $0x8;
	s12 =	sadd.s32 s5, s11;
	v43 =	vor.u32 v8, v27;
	v41 =	vor.u32 v9, v18;
	[tilespmem:v62+s21+$0x0] =	vst.idx.msk $0xffff, v52;
	v38 =	vld.idx.msk [tilespmem:v63+s4+$0x0], $0xffff  }
.LBB2_3:
0x6a: {  	v48 =	vadd.s32 s7, v0;
	s9 =	sadd.s32 $0x1, s7;
	v49 =	vld.idx.msk [tilespmem:v31+s4+$0x0], $0xffff;
	v50 =	vor.u32 v6, v22;
	v51 =	vmov v18  }
0x6b: {  	s13 =	sadd.s32 $0x3, s7;
	[tilespmem:v34+s21+$0x0] =	vst.idx.msk $0xffff, v32;
	v52 =	vmovc v23;
	v35 =	vmovc v20;
	v31 =	vmov v26;
	v32 =	vmov v25;
	v34 =	vmov v27;
	s14 =	smov.u32 s7;
	s8 =	sadd.s32 $0x4, s7  }
0x6c: {  	p3 =	slt.u32 s7, $0x3C;
	v18 =	vand.u32 $0x3F, v48;
	v20 =	vadd.s32 s9, v0;
	s9 =	sadd.s32 $0x2, s14;
	v25 =	vadd.s32 s13, v0;
	[tilespmem:v36+s21+$0x0] =	vst.idx.msk $0xffff, v33;
	v33 =	vmovc v24;
	v36 =	vmovc v22  }
0x6d: {  	v23 =	vshll.u32 v18, $0x7;
	v20 =	vand.u32 $0x3F, v20;
	v22 =	vadd.s32 s9, v0;
	v45 =	vld.idx.msk [tilespmem:v45+s4+$0x0], $0xffff;
	[tilespmem:v28+s21+$0x0] =	vst.idx.msk $0xffff, v39;
	v39 =	vmovc v16  }
0x6e: {  	v25 =	vand.u32 $0x3F, v25;
	v16 =	vmovc v21;
	v28 =	vor.u32 v0, v23;
	v26 =	vand.u32 $0x3F, v22;
	[tilespmem:v46+s21+$0x0] =	vst.idx.msk $0xffff, v44  }
0x6f: {  	v27 =	vshll.u32 v20, $0x7;
	v22 =	vshll.u32 v25, $0x7;
	v24 =	vshll.u32 v26, $0x7;
	v44 =	vld.idx.msk [tilespmem:v47+s4+$0x0], $0xffff;
	[tilespmem:v30+s21+$0x0] =	vst.idx.msk $0xffff, v40  }
0x70: {  	v40 =	vor.u32 v9, v31;
	v30 =	vor.u32 v0, v24;
	[tilespmem:v17+s21+$0x0] =	vst.idx.msk $0xffff, v38;
	v29 =	vld.idx.msk [tilespmem:v29+s4+$0x0], $0xffff  }
0x71: {  	v21 =	vor.u32 v15, v25;
	v38 =	vor.u32 v15, v26;
	[tilespmem:v42+s21+$0x0] =	vst.idx.msk $0xffff, v49;
	v42 =	vld.idx.msk [tilespmem:v50+s4+$0x0], $0xffff  }
0x72: {  	v48 =	vor.u32 v7, v32;
	v46 =	vor.u32 v0, v27;
	v47 =	vor.u32 v9, v35;
	v43 =	vld.idx.msk [tilespmem:v43+s4+$0x0], $0xffff  }
0x73: {  	v17 =	vmov v19;
	v49 =	vor.u32 v0, v22;
	[tilespmem:v41+s21+$0x0] =	vst.idx.msk $0xffff, v45;
	v41 =	vor.u32 v8, v36  }
0x74: {  	v50 =	vor.u32 v15, v51;
	v19 =	vmov v38;
	v45 =	vld.idx.msk [tilespmem:v28+s4+$0x0], $0xffff;
	v28 =	vor.u32 v15, v35  }
0x75: {  	v53 =	vor.u32 v10, v34;
	v38 =	vor.u32 v1, v18;
	v37 =	vld.idx.msk [tilespmem:v37+s4+$0x0], $0xffff;
	[tilespmem:v40+s21+$0x0] =	vst.idx.msk $0xffff, v44  }
0x76: {  	v40 =	vor.u32 v2, v23;
	v44 =	vor.u32 v11, v51;
	v30 =	vld.idx.msk [tilespmem:v30+s4+$0x0], $0xffff;
	[tilespmem:v39+s21+$0x0] =	vst.idx.msk $0xffff, v29  }
0x77: {  	v54 =	vor.u32 v12, v52;
	v39 =	vld.idx.msk [tilespmem:v46+s4+$0x0], $0xffff;
	v46 =	vor.u32 v1, v26;
	[tilespmem:v48+s21+$0x0] =	vst.idx.msk $0xffff, v42  }
0x78: {  	v42 =	vor.u32 v1, v20;
	v48 =	vor.u32 v2, v24;
	[tilespmem:v47+s21+$0x0] =	vst.idx.msk $0xffff, v43;
	v41 =	vld.idx.msk [tilespmem:v41+s4+$0x0], $0xffff  }
0x79: {  	v29 =	vor.u32 v14, v36;
	v47 =	vor.u32 v10, v33;
	v43 =	vld.idx.msk [tilespmem:v49+s4+$0x0], $0xffff;
	v49 =	vor.u32 v9, v32  }
0x7a: {  	[tilespmem:v38+s21+$0x0] =	vst.idx.msk $0xffff, v45;
	v38 =	vor.u32 v1, v25;
	v45 =	vld.idx.msk [tilespmem:v53+s4+$0x0], $0xffff;
	v53 =	vor.u32 v10, v36  }
0x7b: {  	v55 =	vor.u32 v2, v27;
	v40 =	vld.idx.msk [tilespmem:v40+s4+$0x0], $0xffff;
	[tilespmem:v44+s21+$0x0] =	vst.idx.msk $0xffff, v37;
	v37 =	vor.u32 v11, v35  }
0x7c: {  	v44 =	vor.u32 v3, v18;
	[tilespmem:v46+s21+$0x0] =	vst.idx.msk $0xffff, v30;
	v30 =	vor.u32 v2, v22;
	v46 =	vld.idx.msk [tilespmem:v54+s4+$0x0], $0xffff  }
0x7d: {  	v54 =	vor.u32 v4, v23;
	[tilespmem:v42+s21+$0x0] =	vst.idx.msk $0xffff, v39;
	v39 =	vld.idx.msk [tilespmem:v48+s4+$0x0], $0xffff;
	v42 =	vor.u32 v13, v51  }
0x7e: {  	v48 =	vor.u32 v3, v26;
	v51 =	vor.u32 v12, v34;
	v47 =	vld.idx.msk [tilespmem:v47+s4+$0x0], $0xffff;
	[tilespmem:v49+s21+$0x0] =	vst.idx.msk $0xffff, v41  }
0x7f: {  	v41 =	vor.u32 v4, v24;
	[tilespmem:v38+s21+$0x0] =	vst.idx.msk $0xffff, v43;
	v38 =	vor.u32 v11, v31;
	v43 =	vld.idx.msk [tilespmem:v53+s4+$0x0], $0xffff  }
0x80: {  	v52 =	vor.u32 v14, v52;
	v49 =	vld.idx.msk [tilespmem:v55+s4+$0x0], $0xffff;
	[tilespmem:v37+s21+$0x0] =	vst.idx.msk $0xffff, v45;
	v37 =	vor.u32 v11, v32  }
0x81: {  	[tilespmem:v44+s21+$0x0] =	vst.idx.msk $0xffff, v40;
	v40 =	vor.u32 v3, v20;
	v30 =	vld.idx.msk [tilespmem:v30+s4+$0x0], $0xffff;
	v44 =	vor.u32 v12, v33  }
0x82: {  	v53 =	vor.u32 v4, v27;
	v45 =	vld.idx.msk [tilespmem:v54+s4+$0x0], $0xffff;
	v54 =	vor.u32 v3, v25;
	[tilespmem:v42+s21+$0x0] =	vst.idx.msk $0xffff, v46  }
0x83: {  	v42 =	vor.u32 v5, v18;
	[tilespmem:v48+s21+$0x0] =	vst.idx.msk $0xffff, v39;
	v39 =	vor.u32 v4, v22;
	v46 =	vld.idx.msk [tilespmem:v51+s4+$0x0], $0xffff  }
0x84: {  	v35 =	vor.u32 v13, v35;
	v48 =	vor.u32 v6, v23;
	v41 =	vld.idx.msk [tilespmem:v41+s4+$0x0], $0xffff;
	[tilespmem:v38+s21+$0x0] =	vst.idx.msk $0xffff, v47  }
0x85: {  	v51 =	vor.u32 v14, v34;
	v38 =	vor.u32 v5, v26;
	v47 =	vld.idx.msk [tilespmem:v52+s4+$0x0], $0xffff;
	[tilespmem:v37+s21+$0x0] =	vst.idx.msk $0xffff, v43  }
0x86: {  	[tilespmem:v40+s21+$0x0] =	vst.idx.msk $0xffff, v49;
	v40 =	vor.u32 v6, v24;
	v43 =	vld.idx.msk [tilespmem:v44+s4+$0x0], $0xffff;
	v49 =	vor.u32 v12, v36  }
0x87: {  	v52 =	vld.idx.msk [tilespmem:v53+s4+$0x0], $0xffff;
	[tilespmem:v54+s21+$0x0] =	vst.idx.msk $0xffff, v30;
	v53 =	vor.u32 v13, v31;
	v30 =	vor.u32 v13, v32  }
0x88: {  	v55 =	vor.u32 v14, v33;
	v54 =	vor.u32 v5, v20;
	[tilespmem:v42+s21+$0x0] =	vst.idx.msk $0xffff, v45;
	v32 =	vld.idx.msk [tilespmem:v39+s4+$0x0], $0xffff  }
.Ltmp2:
0x89: {  	v34 =	vor.u32 v5, v25;
	v31 =	vor.u32 v6, v27;
	v33 =	vld.idx.msk [tilespmem:v48+s4+$0x0], $0xffff;
	[tilespmem:v35+s21+$0x0] =	vst.idx.msk $0xffff, v46;
	(pc) =	sbr.rel @p3 .LBB2_3-.Ltmp2, $4  }
0x8a: {  	v37 =	vor.u32 v10, v23;
	v36 =	vor.u32 v7, v18;
	[tilespmem:v38+s21+$0x0] =	vst.idx.msk $0xffff, v41;
	v39 =	vld.idx.msk [tilespmem:v51+s4+$0x0], $0xffff  }
0x8b: {  	v45 =	vor.u32 v8, v23;
	v41 =	vor.u32 v9, v18;
	v44 =	vld.idx.msk [tilespmem:v40+s4+$0x0], $0xffff;
	[tilespmem:v50+s21+$0x0] =	vst.idx.msk $0xffff, v47  }
0x8c: {  	v42 =	vor.u32 v7, v20;
	v46 =	vor.u32 v7, v26;
	[tilespmem:v53+s21+$0x0] =	vst.idx.msk $0xffff, v43;
	v40 =	vld.idx.msk [tilespmem:v49+s4+$0x0], $0xffff  }
0x8d: {  	s7 =	smov.u32 s8;
	v47 =	vor.u32 v8, v24;
	v43 =	vor.u32 v8, v27;
	[tilespmem:v54+s21+$0x0] =	vst.idx.msk $0xffff, v52;
	v38 =	vld.idx.msk [tilespmem:v55+s4+$0x0], $0xffff  }
0x8e: {  	v35 =	vor.u32 v6, v22;
	_ =	sdelay $0x3  }
0x8f: {  	v31 =	vld.idx.msk [tilespmem:v31+s4+$0x0], $0xffff;
	[tilespmem:v34+s21+$0x0] =	vst.idx.msk $0xffff, v32  }
0x90: {  	v53 =	vor.u32 v7, v25;
	v32 =	vld.idx.msk [tilespmem:v35+s4+$0x0], $0xffff  }
0x91: {  	v54 =	vor.u32 v8, v22  }
0x92: {  	[tilespmem:v36+s21+$0x0] =	vst.idx.msk $0xffff, v33  }
0x93: {  	v33 =	vld.idx.msk [tilespmem:v45+s4+$0x0], $0xffff;
	[tilespmem:v46+s21+$0x0] =	vst.idx.msk $0xffff, v44  }
0x94: {  	v57 =	vor.u32 v9, v26;
	v56 =	vld.idx.msk [tilespmem:v47+s4+$0x0], $0xffff;
	[tilespmem:v42+s21+$0x0] =	vst.idx.msk $0xffff, v31  }
0x95: {  	v55 =	vor.u32 v9, v20;
	v59 =	vor.u32 v10, v24;
	v31 =	vld.idx.msk [tilespmem:v43+s4+$0x0], $0xffff;
	[tilespmem:v53+s21+$0x0] =	vst.idx.msk $0xffff, v32  }
0x96: {  	v58 =	vor.u32 v10, v27;
	v60 =	vor.u32 v9, v25;
	v32 =	vld.idx.msk [tilespmem:v54+s4+$0x0], $0xffff  }
0x97: {  	v61 =	vor.u32 v10, v22  }
0x98: {  	[tilespmem:v41+s21+$0x0] =	vst.idx.msk $0xffff, v33  }
0x99: {  	v62 =	vor.u32 v11, v18;
	v33 =	vld.idx.msk [tilespmem:v37+s4+$0x0], $0xffff;
	[tilespmem:v57+s21+$0x0] =	vst.idx.msk $0xffff, v56  }
0x9a: {  	v49 =	vor.u32 v11, v26;
	v34 =	vld.idx.msk [tilespmem:v59+s4+$0x0], $0xffff;
	[tilespmem:v55+s21+$0x0] =	vst.idx.msk $0xffff, v31;
	v31 =	vor.u32 v12, v23  }
0x9b: {  	v63 =	vor.u32 v11, v20;
	v51 =	vor.u32 v12, v24;
	v36 =	vld.idx.msk [tilespmem:v58+s4+$0x0], $0xffff;
	[tilespmem:v60+s21+$0x0] =	vst.idx.msk $0xffff, v32  }
0x9c: {  	v48 =	vor.u32 v12, v27;
	v50 =	vor.u32 v11, v25;
	v35 =	vld.idx.msk [tilespmem:v61+s4+$0x0], $0xffff  }
0x9d: {  	v52 =	vor.u32 v12, v22  }
0x9e: {  	[tilespmem:v62+s21+$0x0] =	vst.idx.msk $0xffff, v33  }
0x9f: {  	v53 =	vor.u32 v13, v18;
	[tilespmem:v49+s21+$0x0] =	vst.idx.msk $0xffff, v34;
	v31 =	vld.idx.msk [tilespmem:v31+s4+$0x0], $0xffff  }
0xa0: {  	v26 =	vor.u32 v13, v26;
	v23 =	vor.u32 v14, v23;
	v32 =	vld.idx.msk [tilespmem:v51+s4+$0x0], $0xffff;
	[tilespmem:v63+s21+$0x0] =	vst.idx.msk $0xffff, v36  }
0xa1: {  	v24 =	vor.u32 v14, v24;
	v54 =	vor.u32 v13, v20;
	v36 =	vld.idx.msk [tilespmem:v48+s4+$0x0], $0xffff;
	[tilespmem:v50+s21+$0x0] =	vst.idx.msk $0xffff, v35  }
0xa2: {  	v27 =	vor.u32 v14, v27;
	v25 =	vor.u32 v13, v25;
	[tilespmem:v28+s21+$0x0] =	vst.idx.msk $0xffff, v39;
	v28 =	vld.idx.msk [tilespmem:v52+s4+$0x0], $0xffff  }
0xa3: {  	v22 =	vor.u32 v14, v22;
	[tilespmem:v30+s21+$0x0] =	vst.idx.msk $0xffff, v40  }
0xa4: {  	v29 =	vld.idx.msk [tilespmem:v29+s4+$0x0], $0xffff;
	[tilespmem:v53+s21+$0x0] =	vst.idx.msk $0xffff, v31  }
0xa5: {  	v18 =	vor.u32 v15, v18;
	[tilespmem:v26+s21+$0x0] =	vst.idx.msk $0xffff, v32;
	v23 =	vld.idx.msk [tilespmem:v23+s4+$0x0], $0xffff  }
0xa6: {  	v24 =	vld.idx.msk [tilespmem:v24+s4+$0x0], $0xffff;
	[tilespmem:v54+s21+$0x0] =	vst.idx.msk $0xffff, v36  }
0xa7: {  	v20 =	vor.u32 v15, v20;
	v27 =	vld.idx.msk [tilespmem:v27+s4+$0x0], $0xffff;
	[tilespmem:v25+s21+$0x0] =	vst.idx.msk $0xffff, v28  }
0xa8: {  	[tilespmem:v17+s21+$0x0] =	vst.idx.msk $0xffff, v38;
	v17 =	vld.idx.msk [tilespmem:v22+s4+$0x0], $0xffff  }
0xa9: {  	[tilespmem:v16+s21+$0x0] =	vst.idx.msk $0xffff, v29  }
0xaa: {  	[tilespmem:v18+s21+$0x0] =	vst.idx.msk $0xffff, v23  }
0xab: {  	p3 =	seq.s32 s2, $0x3C;
	[tilespmem:v19+s21+$0x0] =	vst.idx.msk $0xffff, v24  }
0xac: {  	s7 =	sshll.u32 @!p3 s12, $0x7;
	s8 =	simm.s32 @!p3 $0x400;
	[tilespmem:v20+s21+$0x0] =	vst.idx.msk $0xffff, v27  }
0xad: {  	s9 =	simm.s32 @!p3 $0x7A1400;
	s13 =	simm.s32 @!p3 $0x0;
	s7 =	sadd.s32 @!p3 s7, s10;
	[tilespmem:v21+s21+$0x0] =	vst.idx.msk $0xffff, v17  }
0xae: {  	[tilespmem:s13], [sflag:$0x1] =	stream.strided.gather @!p3 [hbm4b:s7+s8], $0x2000, s9, s8, $0x38;
	[tilespmem:$0x18000] =	vst v63  }
0xaf: {  	s8 =	sshll.u32 s12, $0xB;
	s9 =	simm.s32 $0x0  }
0xb0: {  	s12 =	simm.s32 $0x2;
	s7 =	sadd.s32 s3, s8;
	v16 =	vadd.s32 s9, v0  }
0xb1: {  	[hbm4b:s7+s4] =	stream.linear.scatter [tilespmem:s21], [sflag:$0x5], $0x4000, $0x38;
	v37 =	vand.u32 $0x3F, v16;
	v16 =	vadd.s32 s12, v0;
	[tilespmem:$0x18000] =	vst v63  }
0xb2: {  	s13 =	simm.s32 $0x1;
	_ =	swait.ge [sflag:s22], $0x2000;
	v36 =	vshll.u32 v37, $0x7;
	v30 =	vand.u32 $0x3F, v16  }
0xb3: {  	v16 =	vadd.s32 s13, v0;
	[sflag:s22] =	ssyncset.done $0x0;
	v17 =	vor.u32 v0, v36;
	v31 =	vshll.u32 v30, $0x7  }
0xb4: {  	s14 =	simm.s32 $0x3;
	s8 =	simm.s32 @!p2 $0x6;
	v34 =	vand.u32 $0x3F, v16;
	[sflag:s22] =	ssyncadd.s32 $0xFFFFE000;
	v16 =	vor.u32 v0, v31  }
0xb5: {  	v18 =	vadd.s32 s14, v0;
	_ =	swait.ge @!p2 [sflag:s8], $0x4000  }
0xb6: {  	v32 =	vand.u32 $0x3F, v18;
	v35 =	vshll.u32 v34, $0x7;
	[sflag:s8] =	ssyncset.done @!p2 $0x0  }
0xb7: {  	v33 =	vshll.u32 v32, $0x7;
	v18 =	vor.u32 v0, v35;
	[sflag:s8] =	ssyncadd.s32 @!p2 $0xFFFFC000  }
0xb8: {  	v19 =	vor.u32 v0, v33;
	v20 =	vor.u32 v1, v37;
	v17 =	vld.idx.msk [tilespmem:v17+s17+$0x0], $0xffff  }
0xb9: {  	v21 =	vor.u32 v2, v36;
	v22 =	vor.u32 v1, v30;
	v16 =	vld.idx.msk [tilespmem:v16+s17+$0x0], $0xffff  }
0xba: {  	v23 =	vor.u32 v2, v31;
	_ =	sdelay $0x1  }
0xbb: {  	v24 =	vor.u32 v1, v34;
	v18 =	vld.idx.msk [tilespmem:v18+s17+$0x0], $0xffff  }
0xbc: {  	v19 =	vld.idx.msk [tilespmem:v19+s17+$0x0], $0xffff;
	[tilespmem:v20+s23+$0x0] =	vst.idx.msk $0xffff, v17;
	v17 =	vor.u32 v1, v32;
	v20 =	vor.u32 v2, v35  }
0xbd: {  	v26 =	vor.u32 v2, v33;
	v25 =	vor.u32 v3, v37;
	v21 =	vld.idx.msk [tilespmem:v21+s17+$0x0], $0xffff;
	[tilespmem:v22+s23+$0x0] =	vst.idx.msk $0xffff, v16  }
0xbe: {  	v16 =	vor.u32 v4, v36;
	v22 =	vld.idx.msk [tilespmem:v23+s17+$0x0], $0xffff;
	v23 =	vor.u32 v3, v30;
	_ =	sdelay $0x1  }
0xbf: {  	[tilespmem:v24+s23+$0x0] =	vst.idx.msk $0xffff, v18;
	v18 =	vor.u32 v4, v31  }
0xc0: {  	[tilespmem:v17+s23+$0x0] =	vst.idx.msk $0xffff, v19;
	v17 =	vld.idx.msk [tilespmem:v20+s17+$0x0], $0xffff;
	v19 =	vor.u32 v3, v34  }
0xc1: {  	v24 =	vor.u32 v3, v32;
	[tilespmem:v25+s23+$0x0] =	vst.idx.msk $0xffff, v21;
	v20 =	vld.idx.msk [tilespmem:v26+s17+$0x0], $0xffff;
	v21 =	vor.u32 v4, v35  }
0xc2: {  	v26 =	vor.u32 v5, v37;
	v25 =	vld.idx.msk [tilespmem:v16+s17+$0x0], $0xffff;
	[tilespmem:v23+s23+$0x0] =	vst.idx.msk $0xffff, v22;
	v23 =	vor.u32 v4, v33  }
0xc3: {  	v22 =	vor.u32 v6, v36  }
0xc4: {  	v27 =	vor.u32 v5, v30;
	v18 =	vld.idx.msk [tilespmem:v18+s17+$0x0], $0xffff  }
0xc5: {  	v59 =	vor.u32 v6, v33;
	[tilespmem:v19+s23+$0x0] =	vst.idx.msk $0xffff, v17;
	v19 =	vor.u32 v6, v31  }
0xc6: {  	v48 =	vor.u32 v8, v33;
	v21 =	vld.idx.msk [tilespmem:v21+s17+$0x0], $0xffff;
	[tilespmem:v24+s23+$0x0] =	vst.idx.msk $0xffff, v20;
	v20 =	vor.u32 v5, v34  }
0xc7: {  	v24 =	vor.u32 v6, v35;
	[tilespmem:v26+s23+$0x0] =	vst.idx.msk $0xffff, v25;
	v25 =	vor.u32 v5, v32;
	v28 =	vld.idx.msk [tilespmem:v23+s17+$0x0], $0xffff  }
0xc8: {  	v55 =	vor.u32 v9, v37;
	v50 =	vor.u32 v15, v37;
	v26 =	vor.u32 v7, v37;
	v22 =	vld.idx.msk [tilespmem:v22+s17+$0x0], $0xffff  }
0xc9: {  	s9 =	simm.s32 $0x4;
	v29 =	vor.u32 v10, v36;
	[tilespmem:v27+s23+$0x0] =	vst.idx.msk $0xffff, v18;
	v27 =	vor.u32 v8, v36  }
0xca: {  	v57 =	vor.u32 v7, v30;
	v62 =	vor.u32 v9, v30;
	v18 =	vadd.s32 s9, v0;
	v19 =	vld.idx.msk [tilespmem:v19+s17+$0x0], $0xffff  }
0xcb: {  	s13 =	simm.s32 $0x7;
	v56 =	vor.u32 v7, v34;
	v18 =	vand.u32 $0x3F, v18;
	[tilespmem:v20+s23+$0x0] =	vst.idx.msk $0xffff, v21;
	v21 =	vor.u32 v8, v31  }
0xcc: {  	s14 =	simm.s32 $0x6;
	v58 =	vor.u32 v8, v35;
	v23 =	vshll.u32 v18, $0x7;
	v60 =	vld.idx.msk [tilespmem:v24+s17+$0x0], $0xffff;
	v24 =	vadd.s32 s13, v0;
	[tilespmem:v25+s23+$0x0] =	vst.idx.msk $0xffff, v28  }
0xcd: {  	s12 =	simm.s32 $0x5;
	v61 =	vor.u32 v0, v23;
	[tilespmem:v26+s23+$0x0] =	vst.idx.msk $0xffff, v22;
	v22 =	vadd.s32 s14, v0;
	v25 =	vand.u32 $0x3F, v24  }
0xce: {  	v20 =	vadd.s32 s12, v0;
	v28 =	vld.idx.msk [tilespmem:v27+s17+$0x0], $0xffff;
	v26 =	vand.u32 $0x3F, v22;
	v22 =	vshll.u32 v25, $0x7  }
0xcf: {  	v63 =	vld.idx.msk [tilespmem:v59+s17+$0x0], $0xffff;
	[tilespmem:v57+s23+$0x0] =	vst.idx.msk $0xffff, v19;
	v57 =	vor.u32 v7, v32;
	v49 =	vor.u32 v0, v22  }
0xd0: {  	v54 =	vor.u32 v12, v36;
	v20 =	vand.u32 $0x3F, v20;
	v24 =	vshll.u32 v26, $0x7;
	v40 =	vld.idx.msk [tilespmem:v21+s17+$0x0], $0xffff  }
0xd1: {  	v52 =	vor.u32 v10, v35;
	v27 =	vshll.u32 v20, $0x7;
	v45 =	vor.u32 v0, v24  }
0xd2: {  	v59 =	vld.idx.msk [tilespmem:v61+s17+$0x0], $0xffff;
	[tilespmem:v56+s23+$0x0] =	vst.idx.msk $0xffff, v60;
	v56 =	vor.u32 v0, v27;
	v60 =	vor.u32 v1, v18  }
0xd3: {  	v43 =	vor.u32 v12, v35;
	v41 =	vld.idx.msk [tilespmem:v58+s17+$0x0], $0xffff;
	v58 =	vor.u32 v9, v34;
	[tilespmem:v55+s23+$0x0] =	vst.idx.msk $0xffff, v28  }
0xd4: {  	v61 =	vor.u32 v2, v23;
	[tilespmem:v57+s23+$0x0] =	vst.idx.msk $0xffff, v63;
	v47 =	vld.idx.msk [tilespmem:v49+s17+$0x0], $0xffff;
	v57 =	vor.u32 v1, v25  }
0xd5: {  	v16 =	vor.u32 v15, v32;
	v51 =	vld.idx.msk [tilespmem:v29+s17+$0x0], $0xffff;
	[tilespmem:v62+s23+$0x0] =	vst.idx.msk $0xffff, v40;
	v62 =	vor.u32 v11, v37  }
0xd6: {  	v17 =	vor.u32 v15, v30;
	v35 =	vor.u32 v14, v35;
	v53 =	vor.u32 v1, v26;
	v45 =	vld.idx.msk [tilespmem:v45+s17+$0x0], $0xffff  }
0xd7: {  	v39 =	vor.u32 v1, v20;
	v63 =	vor.u32 v2, v24;
	v42 =	vld.idx.msk [tilespmem:v56+s17+$0x0], $0xffff;
	[tilespmem:v60+s23+$0x0] =	vst.idx.msk $0xffff, v59  }
0xd8: {  	v49 =	vor.u32 v9, v32;
	[tilespmem:v58+s23+$0x0] =	vst.idx.msk $0xffff, v41;
	v41 =	vld.idx.msk [tilespmem:v48+s17+$0x0], $0xffff;
	v48 =	vor.u32 v10, v31  }
0xd9: {  	v60 =	vor.u32 v3, v18;
	v40 =	vld.idx.msk [tilespmem:v61+s17+$0x0], $0xffff;
	v61 =	vor.u32 v2, v22;
	[tilespmem:v57+s23+$0x0] =	vst.idx.msk $0xffff, v47  }
0xda: {  	v59 =	vor.u32 v11, v34;
	v58 =	vor.u32 v10, v33;
	v44 =	vld.idx.msk [tilespmem:v52+s17+$0x0], $0xffff;
	[tilespmem:v62+s23+$0x0] =	vst.idx.msk $0xffff, v51  }
0xdb: {  	v55 =	vor.u32 v2, v27;
	v37 =	vor.u32 v13, v37;
	[tilespmem:v53+s23+$0x0] =	vst.idx.msk $0xffff, v45;
	v53 =	vld.idx.msk [tilespmem:v54+s17+$0x0], $0xffff  }
0xdc: {  	v36 =	vor.u32 v14, v36;
	[tilespmem:v39+s23+$0x0] =	vst.idx.msk $0xffff, v42;
	v39 =	vld.idx.msk [tilespmem:v63+s17+$0x0], $0xffff;
	v63 =	vor.u32 v3, v26  }
0xdd: {  	v57 =	vor.u32 v11, v30;
	v62 =	vor.u32 v4, v23;
	v48 =	vld.idx.msk [tilespmem:v48+s17+$0x0], $0xffff;
	[tilespmem:v49+s23+$0x0] =	vst.idx.msk $0xffff, v41  }
0xde: {  	v41 =	vor.u32 v4, v24;
	[tilespmem:v60+s23+$0x0] =	vst.idx.msk $0xffff, v40;
	v45 =	vld.idx.msk [tilespmem:v61+s17+$0x0], $0xffff;
	v61 =	vor.u32 v3, v25  }
0xdf: {  	v19 =	vor.u32 v15, v26;
	v47 =	vld.idx.msk [tilespmem:v58+s17+$0x0], $0xffff;
	[tilespmem:v59+s23+$0x0] =	vst.idx.msk $0xffff, v44;
	v58 =	vor.u32 v11, v32  }
0xe0: {  	v49 =	vld.idx.msk [tilespmem:v55+s17+$0x0], $0xffff;
	v60 =	vor.u32 v12, v31;
	v59 =	vor.u32 v3, v20;
	[tilespmem:v37+s23+$0x0] =	vst.idx.msk $0xffff, v53  }
0xe1: {  	v38 =	vor.u32 v5, v26;
	v52 =	vor.u32 v4, v27;
	v42 =	vld.idx.msk [tilespmem:v43+s17+$0x0], $0xffff;
	[tilespmem:v63+s23+$0x0] =	vst.idx.msk $0xffff, v39  }
0xe2: {  	v51 =	vld.idx.msk [tilespmem:v62+s17+$0x0], $0xffff;
	v62 =	vor.u32 v5, v18;
	v63 =	vor.u32 v4, v22;
	[tilespmem:v57+s23+$0x0] =	vst.idx.msk $0xffff, v48  }
0xe3: {  	v43 =	vor.u32 v6, v23;
	v53 =	vor.u32 v13, v34;
	v41 =	vld.idx.msk [tilespmem:v41+s17+$0x0], $0xffff;
	[tilespmem:v61+s23+$0x0] =	vst.idx.msk $0xffff, v45  }
0xe4: {  	v46 =	vor.u32 v7, v26;
	v21 =	vor.u32 v15, v25;
	v57 =	vld.idx.msk [tilespmem:v36+s17+$0x0], $0xffff;
	[tilespmem:v58+s23+$0x0] =	vst.idx.msk $0xffff, v47  }
0xe5: {  	v28 =	vor.u32 v15, v34;
	[tilespmem:v59+s23+$0x0] =	vst.idx.msk $0xffff, v49;
	v58 =	vor.u32 v6, v24;
	v59 =	vld.idx.msk [tilespmem:v60+s17+$0x0], $0xffff  }
0xe6: {  	v61 =	vor.u32 v13, v30;
	v30 =	vor.u32 v13, v32;
	v60 =	vor.u32 v12, v33;
	v52 =	vld.idx.msk [tilespmem:v52+s17+$0x0], $0xffff  }
0xe7: {  	[tilespmem:v62+s23+$0x0] =	vst.idx.msk $0xffff, v51;
	v62 =	vor.u32 v5, v20;
	v32 =	vld.idx.msk [tilespmem:v63+s17+$0x0], $0xffff;
	v63 =	vor.u32 v14, v31  }
0xe8: {  	v29 =	vor.u32 v14, v33;
	v33 =	vld.idx.msk [tilespmem:v43+s17+$0x0], $0xffff;
	v31 =	vor.u32 v6, v27;
	[tilespmem:v53+s23+$0x0] =	vst.idx.msk $0xffff, v42  }
0xe9: {  	v34 =	vor.u32 v5, v25;
	v37 =	vor.u32 v10, v23;
	[tilespmem:v38+s23+$0x0] =	vst.idx.msk $0xffff, v41;
	v39 =	vld.idx.msk [tilespmem:v35+s17+$0x0], $0xffff  }
0xea: {  	v36 =	vor.u32 v7, v18;
	v45 =	vor.u32 v8, v23;
	[tilespmem:v50+s23+$0x0] =	vst.idx.msk $0xffff, v57;
	v44 =	vld.idx.msk [tilespmem:v58+s17+$0x0], $0xffff  }
0xeb: {  	s11 =	sadd.s32 s11, s5;
	v47 =	vor.u32 v8, v24;
	v42 =	vor.u32 v7, v20;
	[tilespmem:v61+s23+$0x0] =	vst.idx.msk $0xffff, v59;
	v40 =	vld.idx.msk [tilespmem:v60+s17+$0x0], $0xffff  }
0xec: {  	s8 =	simm.s32 $0x8;
	s12 =	sadd.s32 $0x1, s11;
	v43 =	vor.u32 v8, v27;
	v41 =	vor.u32 v9, v18;
	[tilespmem:v62+s23+$0x0] =	vst.idx.msk $0xffff, v52;
	v38 =	vld.idx.msk [tilespmem:v63+s17+$0x0], $0xffff  }
.LBB2_5:
0xed: {  	v48 =	vadd.s32 s8, v0;
	s9 =	sadd.s32 $0x1, s8;
	v49 =	vld.idx.msk [tilespmem:v31+s17+$0x0], $0xffff;
	v50 =	vor.u32 v6, v22;
	v51 =	vmov v18  }
0xee: {  	s13 =	sadd.s32 $0x3, s8;
	[tilespmem:v34+s23+$0x0] =	vst.idx.msk $0xffff, v32;
	v52 =	vmovc v23;
	v35 =	vmovc v20;
	v31 =	vmov v26;
	v32 =	vmov v25;
	v34 =	vmov v27;
	s14 =	smov.u32 s8;
	s7 =	sadd.s32 $0x4, s8  }
0xef: {  	p4 =	slt.u32 s8, $0x3C;
	v18 =	vand.u32 $0x3F, v48;
	v20 =	vadd.s32 s9, v0;
	s9 =	sadd.s32 $0x2, s14;
	v25 =	vadd.s32 s13, v0;
	[tilespmem:v36+s23+$0x0] =	vst.idx.msk $0xffff, v33;
	v33 =	vmovc v24;
	v36 =	vmovc v22  }
0xf0: {  	v23 =	vshll.u32 v18, $0x7;
	v20 =	vand.u32 $0x3F, v20;
	v22 =	vadd.s32 s9, v0;
	v45 =	vld.idx.msk [tilespmem:v45+s17+$0x0], $0xffff;
	[tilespmem:v28+s23+$0x0] =	vst.idx.msk $0xffff, v39;
	v39 =	vmovc v16  }
0xf1: {  	v25 =	vand.u32 $0x3F, v25;
	v16 =	vmovc v21;
	v28 =	vor.u32 v0, v23;
	v26 =	vand.u32 $0x3F, v22;
	[tilespmem:v46+s23+$0x0] =	vst.idx.msk $0xffff, v44  }
0xf2: {  	v27 =	vshll.u32 v20, $0x7;
	v22 =	vshll.u32 v25, $0x7;
	v24 =	vshll.u32 v26, $0x7;
	v44 =	vld.idx.msk [tilespmem:v47+s17+$0x0], $0xffff;
	[tilespmem:v30+s23+$0x0] =	vst.idx.msk $0xffff, v40  }
0xf3: {  	v40 =	vor.u32 v9, v31;
	v30 =	vor.u32 v0, v24;
	[tilespmem:v17+s23+$0x0] =	vst.idx.msk $0xffff, v38;
	v29 =	vld.idx.msk [tilespmem:v29+s17+$0x0], $0xffff  }
0xf4: {  	v21 =	vor.u32 v15, v25;
	v38 =	vor.u32 v15, v26;
	[tilespmem:v42+s23+$0x0] =	vst.idx.msk $0xffff, v49;
	v42 =	vld.idx.msk [tilespmem:v50+s17+$0x0], $0xffff  }
0xf5: {  	v48 =	vor.u32 v7, v32;
	v46 =	vor.u32 v0, v27;
	v47 =	vor.u32 v9, v35;
	v43 =	vld.idx.msk [tilespmem:v43+s17+$0x0], $0xffff  }
0xf6: {  	v17 =	vmov v19;
	v49 =	vor.u32 v0, v22;
	[tilespmem:v41+s23+$0x0] =	vst.idx.msk $0xffff, v45;
	v41 =	vor.u32 v8, v36  }
0xf7: {  	v50 =	vor.u32 v15, v51;
	v19 =	vmov v38;
	v45 =	vld.idx.msk [tilespmem:v28+s17+$0x0], $0xffff;
	v28 =	vor.u32 v15, v35  }
0xf8: {  	v53 =	vor.u32 v10, v34;
	v38 =	vor.u32 v1, v18;
	v37 =	vld.idx.msk [tilespmem:v37+s17+$0x0], $0xffff;
	[tilespmem:v40+s23+$0x0] =	vst.idx.msk $0xffff, v44  }
0xf9: {  	v40 =	vor.u32 v2, v23;
	v44 =	vor.u32 v11, v51;
	v30 =	vld.idx.msk [tilespmem:v30+s17+$0x0], $0xffff;
	[tilespmem:v39+s23+$0x0] =	vst.idx.msk $0xffff, v29  }
0xfa: {  	v54 =	vor.u32 v12, v52;
	v39 =	vld.idx.msk [tilespmem:v46+s17+$0x0], $0xffff;
	v46 =	vor.u32 v1, v26;
	[tilespmem:v48+s23+$0x0] =	vst.idx.msk $0xffff, v42  }
0xfb: {  	v42 =	vor.u32 v1, v20;
	v48 =	vor.u32 v2, v24;
	[tilespmem:v47+s23+$0x0] =	vst.idx.msk $0xffff, v43;
	v41 =	vld.idx.msk [tilespmem:v41+s17+$0x0], $0xffff  }
0xfc: {  	v29 =	vor.u32 v14, v36;
	v47 =	vor.u32 v10, v33;
	v43 =	vld.idx.msk [tilespmem:v49+s17+$0x0], $0xffff;
	v49 =	vor.u32 v9, v32  }
0xfd: {  	[tilespmem:v38+s23+$0x0] =	vst.idx.msk $0xffff, v45;
	v38 =	vor.u32 v1, v25;
	v45 =	vld.idx.msk [tilespmem:v53+s17+$0x0], $0xffff;
	v53 =	vor.u32 v10, v36  }
0xfe: {  	v55 =	vor.u32 v2, v27;
	v40 =	vld.idx.msk [tilespmem:v40+s17+$0x0], $0xffff;
	[tilespmem:v44+s23+$0x0] =	vst.idx.msk $0xffff, v37;
	v37 =	vor.u32 v11, v35  }
0xff: {  	v44 =	vor.u32 v3, v18;
	[tilespmem:v46+s23+$0x0] =	vst.idx.msk $0xffff, v30;
	v30 =	vor.u32 v2, v22;
	v46 =	vld.idx.msk [tilespmem:v54+s17+$0x0], $0xffff  }
0x100: {  	v54 =	vor.u32 v4, v23;
	[tilespmem:v42+s23+$0x0] =	vst.idx.msk $0xffff, v39;
	v39 =	vld.idx.msk [tilespmem:v48+s17+$0x0], $0xffff;
	v42 =	vor.u32 v13, v51  }
0x101: {  	v48 =	vor.u32 v3, v26;
	v51 =	vor.u32 v12, v34;
	v47 =	vld.idx.msk [tilespmem:v47+s17+$0x0], $0xffff;
	[tilespmem:v49+s23+$0x0] =	vst.idx.msk $0xffff, v41  }
0x102: {  	v41 =	vor.u32 v4, v24;
	[tilespmem:v38+s23+$0x0] =	vst.idx.msk $0xffff, v43;
	v38 =	vor.u32 v11, v31;
	v43 =	vld.idx.msk [tilespmem:v53+s17+$0x0], $0xffff  }
0x103: {  	v52 =	vor.u32 v14, v52;
	v49 =	vld.idx.msk [tilespmem:v55+s17+$0x0], $0xffff;
	[tilespmem:v37+s23+$0x0] =	vst.idx.msk $0xffff, v45;
	v37 =	vor.u32 v11, v32  }
0x104: {  	[tilespmem:v44+s23+$0x0] =	vst.idx.msk $0xffff, v40;
	v40 =	vor.u32 v3, v20;
	v30 =	vld.idx.msk [tilespmem:v30+s17+$0x0], $0xffff;
	v44 =	vor.u32 v12, v33  }
0x105: {  	v53 =	vor.u32 v4, v27;
	v45 =	vld.idx.msk [tilespmem:v54+s17+$0x0], $0xffff;
	v54 =	vor.u32 v3, v25;
	[tilespmem:v42+s23+$0x0] =	vst.idx.msk $0xffff, v46  }
0x106: {  	v42 =	vor.u32 v5, v18;
	[tilespmem:v48+s23+$0x0] =	vst.idx.msk $0xffff, v39;
	v39 =	vor.u32 v4, v22;
	v46 =	vld.idx.msk [tilespmem:v51+s17+$0x0], $0xffff  }
0x107: {  	v35 =	vor.u32 v13, v35;
	v48 =	vor.u32 v6, v23;
	v41 =	vld.idx.msk [tilespmem:v41+s17+$0x0], $0xffff;
	[tilespmem:v38+s23+$0x0] =	vst.idx.msk $0xffff, v47  }
0x108: {  	v51 =	vor.u32 v14, v34;
	v38 =	vor.u32 v5, v26;
	v47 =	vld.idx.msk [tilespmem:v52+s17+$0x0], $0xffff;
	[tilespmem:v37+s23+$0x0] =	vst.idx.msk $0xffff, v43  }
0x109: {  	[tilespmem:v40+s23+$0x0] =	vst.idx.msk $0xffff, v49;
	v40 =	vor.u32 v6, v24;
	v43 =	vld.idx.msk [tilespmem:v44+s17+$0x0], $0xffff;
	v49 =	vor.u32 v12, v36  }
0x10a: {  	v52 =	vld.idx.msk [tilespmem:v53+s17+$0x0], $0xffff;
	[tilespmem:v54+s23+$0x0] =	vst.idx.msk $0xffff, v30;
	v53 =	vor.u32 v13, v31;
	v30 =	vor.u32 v13, v32  }
0x10b: {  	v55 =	vor.u32 v14, v33;
	v54 =	vor.u32 v5, v20;
	[tilespmem:v42+s23+$0x0] =	vst.idx.msk $0xffff, v45;
	v32 =	vld.idx.msk [tilespmem:v39+s17+$0x0], $0xffff  }
.Ltmp3:
0x10c: {  	v34 =	vor.u32 v5, v25;
	v31 =	vor.u32 v6, v27;
	v33 =	vld.idx.msk [tilespmem:v48+s17+$0x0], $0xffff;
	[tilespmem:v35+s23+$0x0] =	vst.idx.msk $0xffff, v46;
	(pc) =	sbr.rel @p4 .LBB2_5-.Ltmp3, $4  }
0x10d: {  	v37 =	vor.u32 v10, v23;
	v36 =	vor.u32 v7, v18;
	[tilespmem:v38+s23+$0x0] =	vst.idx.msk $0xffff, v41;
	v39 =	vld.idx.msk [tilespmem:v51+s17+$0x0], $0xffff  }
0x10e: {  	v45 =	vor.u32 v8, v23;
	v41 =	vor.u32 v9, v18;
	v44 =	vld.idx.msk [tilespmem:v40+s17+$0x0], $0xffff;
	[tilespmem:v50+s23+$0x0] =	vst.idx.msk $0xffff, v47  }
0x10f: {  	v42 =	vor.u32 v7, v20;
	v46 =	vor.u32 v7, v26;
	[tilespmem:v53+s23+$0x0] =	vst.idx.msk $0xffff, v43;
	v40 =	vld.idx.msk [tilespmem:v49+s17+$0x0], $0xffff  }
0x110: {  	s8 =	smov.u32 s7;
	v47 =	vor.u32 v8, v24;
	v43 =	vor.u32 v8, v27;
	[tilespmem:v54+s23+$0x0] =	vst.idx.msk $0xffff, v52;
	v38 =	vld.idx.msk [tilespmem:v55+s17+$0x0], $0xffff  }
0x111: {  	v35 =	vor.u32 v6, v22;
	_ =	sdelay $0x3  }
0x112: {  	v31 =	vld.idx.msk [tilespmem:v31+s17+$0x0], $0xffff;
	[tilespmem:v34+s23+$0x0] =	vst.idx.msk $0xffff, v32  }
0x113: {  	v53 =	vor.u32 v7, v25;
	v32 =	vld.idx.msk [tilespmem:v35+s17+$0x0], $0xffff  }
0x114: {  	v54 =	vor.u32 v8, v22  }
0x115: {  	[tilespmem:v36+s23+$0x0] =	vst.idx.msk $0xffff, v33  }
0x116: {  	v33 =	vld.idx.msk [tilespmem:v45+s17+$0x0], $0xffff;
	[tilespmem:v46+s23+$0x0] =	vst.idx.msk $0xffff, v44  }
0x117: {  	v57 =	vor.u32 v9, v26;
	v56 =	vld.idx.msk [tilespmem:v47+s17+$0x0], $0xffff;
	[tilespmem:v42+s23+$0x0] =	vst.idx.msk $0xffff, v31  }
0x118: {  	v55 =	vor.u32 v9, v20;
	v59 =	vor.u32 v10, v24;
	v31 =	vld.idx.msk [tilespmem:v43+s17+$0x0], $0xffff;
	[tilespmem:v53+s23+$0x0] =	vst.idx.msk $0xffff, v32  }
0x119: {  	v58 =	vor.u32 v10, v27;
	v60 =	vor.u32 v9, v25;
	v32 =	vld.idx.msk [tilespmem:v54+s17+$0x0], $0xffff  }
0x11a: {  	v61 =	vor.u32 v10, v22  }
0x11b: {  	[tilespmem:v41+s23+$0x0] =	vst.idx.msk $0xffff, v33  }
0x11c: {  	v62 =	vor.u32 v11, v18;
	v33 =	vld.idx.msk [tilespmem:v37+s17+$0x0], $0xffff;
	[tilespmem:v57+s23+$0x0] =	vst.idx.msk $0xffff, v56  }
0x11d: {  	v49 =	vor.u32 v11, v26;
	v34 =	vld.idx.msk [tilespmem:v59+s17+$0x0], $0xffff;
	[tilespmem:v55+s23+$0x0] =	vst.idx.msk $0xffff, v31;
	v31 =	vor.u32 v12, v23  }
0x11e: {  	v63 =	vor.u32 v11, v20;
	v51 =	vor.u32 v12, v24;
	v36 =	vld.idx.msk [tilespmem:v58+s17+$0x0], $0xffff;
	[tilespmem:v60+s23+$0x0] =	vst.idx.msk $0xffff, v32  }
0x11f: {  	v48 =	vor.u32 v12, v27;
	v50 =	vor.u32 v11, v25;
	v35 =	vld.idx.msk [tilespmem:v61+s17+$0x0], $0xffff  }
0x120: {  	v52 =	vor.u32 v12, v22  }
0x121: {  	[tilespmem:v62+s23+$0x0] =	vst.idx.msk $0xffff, v33  }
0x122: {  	v53 =	vor.u32 v13, v18;
	[tilespmem:v49+s23+$0x0] =	vst.idx.msk $0xffff, v34;
	v31 =	vld.idx.msk [tilespmem:v31+s17+$0x0], $0xffff  }
0x123: {  	v26 =	vor.u32 v13, v26;
	v23 =	vor.u32 v14, v23;
	v32 =	vld.idx.msk [tilespmem:v51+s17+$0x0], $0xffff;
	[tilespmem:v63+s23+$0x0] =	vst.idx.msk $0xffff, v36  }
0x124: {  	v24 =	vor.u32 v14, v24;
	v54 =	vor.u32 v13, v20;
	v36 =	vld.idx.msk [tilespmem:v48+s17+$0x0], $0xffff;
	[tilespmem:v50+s23+$0x0] =	vst.idx.msk $0xffff, v35  }
0x125: {  	v27 =	vor.u32 v14, v27;
	v25 =	vor.u32 v13, v25;
	[tilespmem:v28+s23+$0x0] =	vst.idx.msk $0xffff, v39;
	v28 =	vld.idx.msk [tilespmem:v52+s17+$0x0], $0xffff  }
0x126: {  	v22 =	vor.u32 v14, v22;
	[tilespmem:v30+s23+$0x0] =	vst.idx.msk $0xffff, v40  }
0x127: {  	v29 =	vld.idx.msk [tilespmem:v29+s17+$0x0], $0xffff;
	[tilespmem:v53+s23+$0x0] =	vst.idx.msk $0xffff, v31  }
0x128: {  	v18 =	vor.u32 v15, v18;
	[tilespmem:v26+s23+$0x0] =	vst.idx.msk $0xffff, v32;
	v23 =	vld.idx.msk [tilespmem:v23+s17+$0x0], $0xffff  }
0x129: {  	v24 =	vld.idx.msk [tilespmem:v24+s17+$0x0], $0xffff;
	[tilespmem:v54+s23+$0x0] =	vst.idx.msk $0xffff, v36  }
0x12a: {  	v20 =	vor.u32 v15, v20;
	v27 =	vld.idx.msk [tilespmem:v27+s17+$0x0], $0xffff;
	[tilespmem:v25+s23+$0x0] =	vst.idx.msk $0xffff, v28  }
0x12b: {  	[tilespmem:v17+s23+$0x0] =	vst.idx.msk $0xffff, v38;
	v17 =	vld.idx.msk [tilespmem:v22+s17+$0x0], $0xffff  }
0x12c: {  	[tilespmem:v16+s23+$0x0] =	vst.idx.msk $0xffff, v29  }
0x12d: {  	[tilespmem:v18+s23+$0x0] =	vst.idx.msk $0xffff, v23  }
0x12e: {  	[tilespmem:v19+s23+$0x0] =	vst.idx.msk $0xffff, v24  }
0x12f: {  	s7 =	sshll.u32 @!p3 s12, $0x7;
	s8 =	simm.s32 @!p3 $0x400;
	[tilespmem:v20+s23+$0x0] =	vst.idx.msk $0xffff, v27  }
0x130: {  	s9 =	simm.s32 @!p3 $0x7A1400;
	s13 =	simm.s32 @!p3 $0x2000;
	s7 =	sadd.s32 @!p3 s7, s10;
	[tilespmem:v21+s23+$0x0] =	vst.idx.msk $0xffff, v17  }
0x131: {  	[tilespmem:s13], [sflag:$0x2] =	stream.strided.gather @!p3 [hbm4b:s7+s8], $0x2000, s9, s8, $0x38;
	[tilespmem:$0x18000] =	vst v63  }
0x132: {  	s8 =	sshll.u32 s12, $0xB  }
0x133: {  	s9 =	simm.s32 $0x0;
	s7 =	sand.u32 $0x1FFFE800, s8  }
0x134: {  	s12 =	simm.s32 $0x2;
	v16 =	vadd.s32 s9, v0;
	s7 =	sadd.s32 s3, s7  }
0x135: {  	v37 =	vand.u32 $0x3F, v16;
	v16 =	vadd.s32 s12, v0;
	[hbm4b:s7+s4] =	stream.linear.scatter [tilespmem:s23], [sflag:$0x6], $0x4000, $0x38;
	[tilespmem:$0x18000] =	vst v63  }
0x136: {  	s13 =	simm.s32 $0x1;
	v36 =	vshll.u32 v37, $0x7;
	v30 =	vand.u32 $0x3F, v16;
	_ =	swait.ge [sflag:s24], $0x2000  }
0x137: {  	v16 =	vadd.s32 s13, v0;
	v17 =	vor.u32 v0, v36;
	v31 =	vshll.u32 v30, $0x7;
	[sflag:s24] =	ssyncset.done $0x0  }
0x138: {  	s14 =	simm.s32 $0x3;
	s8 =	simm.s32 @!p2 $0x7;
	v34 =	vand.u32 $0x3F, v16;
	v16 =	vor.u32 v0, v31;
	[sflag:s24] =	ssyncadd.s32 $0xFFFFE000  }
0x139: {  	v18 =	vadd.s32 s14, v0;
	_ =	swait.ge @!p2 [sflag:s8], $0x4000  }
0x13a: {  	v32 =	vand.u32 $0x3F, v18;
	v35 =	vshll.u32 v34, $0x7;
	[sflag:s8] =	ssyncset.done @!p2 $0x0  }
0x13b: {  	v33 =	vshll.u32 v32, $0x7;
	v18 =	vor.u32 v0, v35;
	[sflag:s8] =	ssyncadd.s32 @!p2 $0xFFFFC000  }
0x13c: {  	v19 =	vor.u32 v0, v33;
	v20 =	vor.u32 v1, v37;
	v17 =	vld.idx.msk [tilespmem:v17+s18+$0x0], $0xffff  }
0x13d: {  	v21 =	vor.u32 v2, v36;
	v22 =	vor.u32 v1, v30;
	v16 =	vld.idx.msk [tilespmem:v16+s18+$0x0], $0xffff  }
0x13e: {  	v23 =	vor.u32 v2, v31;
	_ =	sdelay $0x1  }
0x13f: {  	v24 =	vor.u32 v1, v34;
	v18 =	vld.idx.msk [tilespmem:v18+s18+$0x0], $0xffff  }
0x140: {  	v19 =	vld.idx.msk [tilespmem:v19+s18+$0x0], $0xffff;
	[tilespmem:v20+s25+$0x0] =	vst.idx.msk $0xffff, v17;
	v17 =	vor.u32 v1, v32;
	v20 =	vor.u32 v2, v35  }
0x141: {  	v26 =	vor.u32 v2, v33;
	v25 =	vor.u32 v3, v37;
	[tilespmem:v22+s25+$0x0] =	vst.idx.msk $0xffff, v16;
	v21 =	vld.idx.msk [tilespmem:v21+s18+$0x0], $0xffff  }
0x142: {  	v16 =	vor.u32 v4, v36;
	v22 =	vld.idx.msk [tilespmem:v23+s18+$0x0], $0xffff;
	v23 =	vor.u32 v3, v30;
	_ =	sdelay $0x1  }
0x143: {  	[tilespmem:v24+s25+$0x0] =	vst.idx.msk $0xffff, v18;
	v18 =	vor.u32 v4, v31  }
0x144: {  	[tilespmem:v17+s25+$0x0] =	vst.idx.msk $0xffff, v19;
	v17 =	vld.idx.msk [tilespmem:v20+s18+$0x0], $0xffff;
	v19 =	vor.u32 v3, v34  }
0x145: {  	v24 =	vor.u32 v3, v32;
	[tilespmem:v25+s25+$0x0] =	vst.idx.msk $0xffff, v21;
	v20 =	vld.idx.msk [tilespmem:v26+s18+$0x0], $0xffff;
	v21 =	vor.u32 v4, v35  }
0x146: {  	v26 =	vor.u32 v5, v37;
	[tilespmem:v23+s25+$0x0] =	vst.idx.msk $0xffff, v22;
	v23 =	vor.u32 v4, v33;
	v25 =	vld.idx.msk [tilespmem:v16+s18+$0x0], $0xffff  }
0x147: {  	v22 =	vor.u32 v6, v36  }
0x148: {  	v27 =	vor.u32 v5, v30;
	v18 =	vld.idx.msk [tilespmem:v18+s18+$0x0], $0xffff  }
0x149: {  	v59 =	vor.u32 v6, v33;
	[tilespmem:v19+s25+$0x0] =	vst.idx.msk $0xffff, v17;
	v19 =	vor.u32 v6, v31  }
0x14a: {  	v48 =	vor.u32 v8, v33;
	v21 =	vld.idx.msk [tilespmem:v21+s18+$0x0], $0xffff;
	[tilespmem:v24+s25+$0x0] =	vst.idx.msk $0xffff, v20;
	v20 =	vor.u32 v5, v34  }
0x14b: {  	v24 =	vor.u32 v6, v35;
	[tilespmem:v26+s25+$0x0] =	vst.idx.msk $0xffff, v25;
	v25 =	vor.u32 v5, v32;
	v28 =	vld.idx.msk [tilespmem:v23+s18+$0x0], $0xffff  }
0x14c: {  	v55 =	vor.u32 v9, v37;
	v50 =	vor.u32 v15, v37;
	v26 =	vor.u32 v7, v37;
	v22 =	vld.idx.msk [tilespmem:v22+s18+$0x0], $0xffff  }
0x14d: {  	s9 =	simm.s32 $0x4;
	v29 =	vor.u32 v10, v36;
	[tilespmem:v27+s25+$0x0] =	vst.idx.msk $0xffff, v18;
	v27 =	vor.u32 v8, v36  }
0x14e: {  	v57 =	vor.u32 v7, v30;
	v62 =	vor.u32 v9, v30;
	v18 =	vadd.s32 s9, v0;
	v19 =	vld.idx.msk [tilespmem:v19+s18+$0x0], $0xffff  }
0x14f: {  	s13 =	simm.s32 $0x7;
	v56 =	vor.u32 v7, v34;
	v18 =	vand.u32 $0x3F, v18;
	[tilespmem:v20+s25+$0x0] =	vst.idx.msk $0xffff, v21;
	v21 =	vor.u32 v8, v31  }
0x150: {  	s14 =	simm.s32 $0x6;
	v58 =	vor.u32 v8, v35;
	v23 =	vshll.u32 v18, $0x7;
	v60 =	vld.idx.msk [tilespmem:v24+s18+$0x0], $0xffff;
	v24 =	vadd.s32 s13, v0;
	[tilespmem:v25+s25+$0x0] =	vst.idx.msk $0xffff, v28  }
0x151: {  	s12 =	simm.s32 $0x5;
	v61 =	vor.u32 v0, v23;
	[tilespmem:v26+s25+$0x0] =	vst.idx.msk $0xffff, v22;
	v22 =	vadd.s32 s14, v0;
	v25 =	vand.u32 $0x3F, v24  }
0x152: {  	v20 =	vadd.s32 s12, v0;
	v28 =	vld.idx.msk [tilespmem:v27+s18+$0x0], $0xffff;
	v26 =	vand.u32 $0x3F, v22;
	v22 =	vshll.u32 v25, $0x7  }
0x153: {  	v63 =	vld.idx.msk [tilespmem:v59+s18+$0x0], $0xffff;
	[tilespmem:v57+s25+$0x0] =	vst.idx.msk $0xffff, v19;
	v57 =	vor.u32 v7, v32;
	v49 =	vor.u32 v0, v22  }
0x154: {  	v54 =	vor.u32 v12, v36;
	v20 =	vand.u32 $0x3F, v20;
	v24 =	vshll.u32 v26, $0x7;
	v40 =	vld.idx.msk [tilespmem:v21+s18+$0x0], $0xffff  }
0x155: {  	v52 =	vor.u32 v10, v35;
	v27 =	vshll.u32 v20, $0x7;
	v45 =	vor.u32 v0, v24  }
0x156: {  	v59 =	vld.idx.msk [tilespmem:v61+s18+$0x0], $0xffff;
	[tilespmem:v56+s25+$0x0] =	vst.idx.msk $0xffff, v60;
	v56 =	vor.u32 v0, v27;
	v60 =	vor.u32 v1, v18  }
0x157: {  	v43 =	vor.u32 v12, v35;
	v41 =	vld.idx.msk [tilespmem:v58+s18+$0x0], $0xffff;
	v58 =	vor.u32 v9, v34;
	[tilespmem:v55+s25+$0x0] =	vst.idx.msk $0xffff, v28  }
0x158: {  	v61 =	vor.u32 v2, v23;
	[tilespmem:v57+s25+$0x0] =	vst.idx.msk $0xffff, v63;
	v47 =	vld.idx.msk [tilespmem:v49+s18+$0x0], $0xffff;
	v57 =	vor.u32 v1, v25  }
0x159: {  	v16 =	vor.u32 v15, v32;
	v51 =	vld.idx.msk [tilespmem:v29+s18+$0x0], $0xffff;
	[tilespmem:v62+s25+$0x0] =	vst.idx.msk $0xffff, v40;
	v62 =	vor.u32 v11, v37  }
0x15a: {  	v17 =	vor.u32 v15, v30;
	v35 =	vor.u32 v14, v35;
	v53 =	vor.u32 v1, v26;
	v45 =	vld.idx.msk [tilespmem:v45+s18+$0x0], $0xffff  }
0x15b: {  	v39 =	vor.u32 v1, v20;
	v63 =	vor.u32 v2, v24;
	v42 =	vld.idx.msk [tilespmem:v56+s18+$0x0], $0xffff;
	[tilespmem:v60+s25+$0x0] =	vst.idx.msk $0xffff, v59  }
0x15c: {  	v49 =	vor.u32 v9, v32;
	[tilespmem:v58+s25+$0x0] =	vst.idx.msk $0xffff, v41;
	v41 =	vld.idx.msk [tilespmem:v48+s18+$0x0], $0xffff;
	v48 =	vor.u32 v10, v31  }
0x15d: {  	v60 =	vor.u32 v3, v18;
	v40 =	vld.idx.msk [tilespmem:v61+s18+$0x0], $0xffff;
	v61 =	vor.u32 v2, v22;
	[tilespmem:v57+s25+$0x0] =	vst.idx.msk $0xffff, v47  }
0x15e: {  	v59 =	vor.u32 v11, v34;
	v58 =	vor.u32 v10, v33;
	v44 =	vld.idx.msk [tilespmem:v52+s18+$0x0], $0xffff;
	[tilespmem:v62+s25+$0x0] =	vst.idx.msk $0xffff, v51  }
0x15f: {  	v55 =	vor.u32 v2, v27;
	v37 =	vor.u32 v13, v37;
	[tilespmem:v53+s25+$0x0] =	vst.idx.msk $0xffff, v45;
	v53 =	vld.idx.msk [tilespmem:v54+s18+$0x0], $0xffff  }
0x160: {  	v36 =	vor.u32 v14, v36;
	[tilespmem:v39+s25+$0x0] =	vst.idx.msk $0xffff, v42;
	v39 =	vld.idx.msk [tilespmem:v63+s18+$0x0], $0xffff;
	v63 =	vor.u32 v3, v26  }
0x161: {  	v57 =	vor.u32 v11, v30;
	v62 =	vor.u32 v4, v23;
	v48 =	vld.idx.msk [tilespmem:v48+s18+$0x0], $0xffff;
	[tilespmem:v49+s25+$0x0] =	vst.idx.msk $0xffff, v41  }
0x162: {  	v41 =	vor.u32 v4, v24;
	[tilespmem:v60+s25+$0x0] =	vst.idx.msk $0xffff, v40;
	v45 =	vld.idx.msk [tilespmem:v61+s18+$0x0], $0xffff;
	v61 =	vor.u32 v3, v25  }
0x163: {  	v19 =	vor.u32 v15, v26;
	v47 =	vld.idx.msk [tilespmem:v58+s18+$0x0], $0xffff;
	[tilespmem:v59+s25+$0x0] =	vst.idx.msk $0xffff, v44;
	v58 =	vor.u32 v11, v32  }
0x164: {  	v49 =	vld.idx.msk [tilespmem:v55+s18+$0x0], $0xffff;
	v60 =	vor.u32 v12, v31;
	v59 =	vor.u32 v3, v20;
	[tilespmem:v37+s25+$0x0] =	vst.idx.msk $0xffff, v53  }
0x165: {  	v38 =	vor.u32 v5, v26;
	v52 =	vor.u32 v4, v27;
	v42 =	vld.idx.msk [tilespmem:v43+s18+$0x0], $0xffff;
	[tilespmem:v63+s25+$0x0] =	vst.idx.msk $0xffff, v39  }
0x166: {  	v51 =	vld.idx.msk [tilespmem:v62+s18+$0x0], $0xffff;
	v62 =	vor.u32 v5, v18;
	v63 =	vor.u32 v4, v22;
	[tilespmem:v57+s25+$0x0] =	vst.idx.msk $0xffff, v48  }
0x167: {  	v43 =	vor.u32 v6, v23;
	v53 =	vor.u32 v13, v34;
	v41 =	vld.idx.msk [tilespmem:v41+s18+$0x0], $0xffff;
	[tilespmem:v61+s25+$0x0] =	vst.idx.msk $0xffff, v45  }
0x168: {  	v46 =	vor.u32 v7, v26;
	v21 =	vor.u32 v15, v25;
	v57 =	vld.idx.msk [tilespmem:v36+s18+$0x0], $0xffff;
	[tilespmem:v58+s25+$0x0] =	vst.idx.msk $0xffff, v47  }
0x169: {  	v28 =	vor.u32 v15, v34;
	[tilespmem:v59+s25+$0x0] =	vst.idx.msk $0xffff, v49;
	v58 =	vor.u32 v6, v24;
	v59 =	vld.idx.msk [tilespmem:v60+s18+$0x0], $0xffff  }
0x16a: {  	v61 =	vor.u32 v13, v30;
	v30 =	vor.u32 v13, v32;
	v60 =	vor.u32 v12, v33;
	v52 =	vld.idx.msk [tilespmem:v52+s18+$0x0], $0xffff  }
0x16b: {  	[tilespmem:v62+s25+$0x0] =	vst.idx.msk $0xffff, v51;
	v62 =	vor.u32 v5, v20;
	v32 =	vld.idx.msk [tilespmem:v63+s18+$0x0], $0xffff;
	v63 =	vor.u32 v14, v31  }
0x16c: {  	v29 =	vor.u32 v14, v33;
	v33 =	vld.idx.msk [tilespmem:v43+s18+$0x0], $0xffff;
	v31 =	vor.u32 v6, v27;
	[tilespmem:v53+s25+$0x0] =	vst.idx.msk $0xffff, v42  }
0x16d: {  	v34 =	vor.u32 v5, v25;
	v37 =	vor.u32 v10, v23;
	[tilespmem:v38+s25+$0x0] =	vst.idx.msk $0xffff, v41;
	v39 =	vld.idx.msk [tilespmem:v35+s18+$0x0], $0xffff  }
0x16e: {  	v36 =	vor.u32 v7, v18;
	v45 =	vor.u32 v8, v23;
	[tilespmem:v50+s25+$0x0] =	vst.idx.msk $0xffff, v57;
	v44 =	vld.idx.msk [tilespmem:v58+s18+$0x0], $0xffff  }
0x16f: {  	v47 =	vor.u32 v8, v24;
	v42 =	vor.u32 v7, v20;
	[tilespmem:v61+s25+$0x0] =	vst.idx.msk $0xffff, v59;
	v40 =	vld.idx.msk [tilespmem:v60+s18+$0x0], $0xffff  }
0x170: {  	s8 =	simm.s32 $0x8;
	s12 =	sadd.s32 $0x2, s11;
	v43 =	vor.u32 v8, v27;
	v41 =	vor.u32 v9, v18;
	[tilespmem:v62+s25+$0x0] =	vst.idx.msk $0xffff, v52;
	v38 =	vld.idx.msk [tilespmem:v63+s18+$0x0], $0xffff  }
.LBB2_7:
0x171: {  	v48 =	vadd.s32 s8, v0;
	s9 =	sadd.s32 $0x1, s8;
	v49 =	vld.idx.msk [tilespmem:v31+s18+$0x0], $0xffff;
	v50 =	vor.u32 v6, v22;
	v51 =	vmov v18  }
0x172: {  	s13 =	sadd.s32 $0x3, s8;
	[tilespmem:v34+s25+$0x0] =	vst.idx.msk $0xffff, v32;
	v52 =	vmovc v23;
	v35 =	vmovc v20;
	v31 =	vmov v26;
	v32 =	vmov v25;
	v34 =	vmov v27;
	s14 =	smov.u32 s8;
	s7 =	sadd.s32 $0x4, s8  }
0x173: {  	p4 =	slt.u32 s8, $0x3C;
	v18 =	vand.u32 $0x3F, v48;
	v20 =	vadd.s32 s9, v0;
	s9 =	sadd.s32 $0x2, s14;
	v25 =	vadd.s32 s13, v0;
	[tilespmem:v36+s25+$0x0] =	vst.idx.msk $0xffff, v33;
	v33 =	vmovc v24;
	v36 =	vmovc v22  }
0x174: {  	v23 =	vshll.u32 v18, $0x7;
	v20 =	vand.u32 $0x3F, v20;
	v22 =	vadd.s32 s9, v0;
	v45 =	vld.idx.msk [tilespmem:v45+s18+$0x0], $0xffff;
	[tilespmem:v28+s25+$0x0] =	vst.idx.msk $0xffff, v39;
	v39 =	vmovc v16  }
0x175: {  	v25 =	vand.u32 $0x3F, v25;
	v16 =	vmovc v21;
	v28 =	vor.u32 v0, v23;
	v26 =	vand.u32 $0x3F, v22;
	[tilespmem:v46+s25+$0x0] =	vst.idx.msk $0xffff, v44  }
0x176: {  	v27 =	vshll.u32 v20, $0x7;
	v22 =	vshll.u32 v25, $0x7;
	v24 =	vshll.u32 v26, $0x7;
	v44 =	vld.idx.msk [tilespmem:v47+s18+$0x0], $0xffff;
	[tilespmem:v30+s25+$0x0] =	vst.idx.msk $0xffff, v40  }
0x177: {  	v40 =	vor.u32 v9, v31;
	v30 =	vor.u32 v0, v24;
	[tilespmem:v17+s25+$0x0] =	vst.idx.msk $0xffff, v38;
	v29 =	vld.idx.msk [tilespmem:v29+s18+$0x0], $0xffff  }
0x178: {  	v21 =	vor.u32 v15, v25;
	v38 =	vor.u32 v15, v26;
	[tilespmem:v42+s25+$0x0] =	vst.idx.msk $0xffff, v49;
	v42 =	vld.idx.msk [tilespmem:v50+s18+$0x0], $0xffff  }
0x179: {  	v48 =	vor.u32 v7, v32;
	v46 =	vor.u32 v0, v27;
	v47 =	vor.u32 v9, v35;
	v43 =	vld.idx.msk [tilespmem:v43+s18+$0x0], $0xffff  }
0x17a: {  	v17 =	vmov v19;
	v49 =	vor.u32 v0, v22;
	[tilespmem:v41+s25+$0x0] =	vst.idx.msk $0xffff, v45;
	v41 =	vor.u32 v8, v36  }
0x17b: {  	v50 =	vor.u32 v15, v51;
	v19 =	vmov v38;
	v45 =	vld.idx.msk [tilespmem:v28+s18+$0x0], $0xffff;
	v28 =	vor.u32 v15, v35  }
0x17c: {  	v53 =	vor.u32 v10, v34;
	v38 =	vor.u32 v1, v18;
	v37 =	vld.idx.msk [tilespmem:v37+s18+$0x0], $0xffff;
	[tilespmem:v40+s25+$0x0] =	vst.idx.msk $0xffff, v44  }
0x17d: {  	v40 =	vor.u32 v2, v23;
	v44 =	vor.u32 v11, v51;
	v30 =	vld.idx.msk [tilespmem:v30+s18+$0x0], $0xffff;
	[tilespmem:v39+s25+$0x0] =	vst.idx.msk $0xffff, v29  }
0x17e: {  	v54 =	vor.u32 v12, v52;
	v39 =	vld.idx.msk [tilespmem:v46+s18+$0x0], $0xffff;
	v46 =	vor.u32 v1, v26;
	[tilespmem:v48+s25+$0x0] =	vst.idx.msk $0xffff, v42  }
0x17f: {  	v42 =	vor.u32 v1, v20;
	v48 =	vor.u32 v2, v24;
	[tilespmem:v47+s25+$0x0] =	vst.idx.msk $0xffff, v43;
	v41 =	vld.idx.msk [tilespmem:v41+s18+$0x0], $0xffff  }
0x180: {  	v29 =	vor.u32 v14, v36;
	v47 =	vor.u32 v10, v33;
	v43 =	vld.idx.msk [tilespmem:v49+s18+$0x0], $0xffff;
	v49 =	vor.u32 v9, v32  }
0x181: {  	[tilespmem:v38+s25+$0x0] =	vst.idx.msk $0xffff, v45;
	v38 =	vor.u32 v1, v25;
	v45 =	vld.idx.msk [tilespmem:v53+s18+$0x0], $0xffff;
	v53 =	vor.u32 v10, v36  }
0x182: {  	v55 =	vor.u32 v2, v27;
	v40 =	vld.idx.msk [tilespmem:v40+s18+$0x0], $0xffff;
	[tilespmem:v44+s25+$0x0] =	vst.idx.msk $0xffff, v37;
	v37 =	vor.u32 v11, v35  }
0x183: {  	v44 =	vor.u32 v3, v18;
	[tilespmem:v46+s25+$0x0] =	vst.idx.msk $0xffff, v30;
	v30 =	vor.u32 v2, v22;
	v46 =	vld.idx.msk [tilespmem:v54+s18+$0x0], $0xffff  }
0x184: {  	v54 =	vor.u32 v4, v23;
	[tilespmem:v42+s25+$0x0] =	vst.idx.msk $0xffff, v39;
	v39 =	vld.idx.msk [tilespmem:v48+s18+$0x0], $0xffff;
	v42 =	vor.u32 v13, v51  }
0x185: {  	v48 =	vor.u32 v3, v26;
	v51 =	vor.u32 v12, v34;
	v47 =	vld.idx.msk [tilespmem:v47+s18+$0x0], $0xffff;
	[tilespmem:v49+s25+$0x0] =	vst.idx.msk $0xffff, v41  }
0x186: {  	v41 =	vor.u32 v4, v24;
	[tilespmem:v38+s25+$0x0] =	vst.idx.msk $0xffff, v43;
	v38 =	vor.u32 v11, v31;
	v43 =	vld.idx.msk [tilespmem:v53+s18+$0x0], $0xffff  }
0x187: {  	v52 =	vor.u32 v14, v52;
	v49 =	vld.idx.msk [tilespmem:v55+s18+$0x0], $0xffff;
	[tilespmem:v37+s25+$0x0] =	vst.idx.msk $0xffff, v45;
	v37 =	vor.u32 v11, v32  }
0x188: {  	[tilespmem:v44+s25+$0x0] =	vst.idx.msk $0xffff, v40;
	v40 =	vor.u32 v3, v20;
	v30 =	vld.idx.msk [tilespmem:v30+s18+$0x0], $0xffff;
	v44 =	vor.u32 v12, v33  }
0x189: {  	v53 =	vor.u32 v4, v27;
	v45 =	vld.idx.msk [tilespmem:v54+s18+$0x0], $0xffff;
	v54 =	vor.u32 v3, v25;
	[tilespmem:v42+s25+$0x0] =	vst.idx.msk $0xffff, v46  }
0x18a: {  	v42 =	vor.u32 v5, v18;
	[tilespmem:v48+s25+$0x0] =	vst.idx.msk $0xffff, v39;
	v39 =	vor.u32 v4, v22;
	v46 =	vld.idx.msk [tilespmem:v51+s18+$0x0], $0xffff  }
0x18b: {  	v35 =	vor.u32 v13, v35;
	v48 =	vor.u32 v6, v23;
	v41 =	vld.idx.msk [tilespmem:v41+s18+$0x0], $0xffff;
	[tilespmem:v38+s25+$0x0] =	vst.idx.msk $0xffff, v47  }
0x18c: {  	v51 =	vor.u32 v14, v34;
	v38 =	vor.u32 v5, v26;
	v47 =	vld.idx.msk [tilespmem:v52+s18+$0x0], $0xffff;
	[tilespmem:v37+s25+$0x0] =	vst.idx.msk $0xffff, v43  }
0x18d: {  	[tilespmem:v40+s25+$0x0] =	vst.idx.msk $0xffff, v49;
	v40 =	vor.u32 v6, v24;
	v43 =	vld.idx.msk [tilespmem:v44+s18+$0x0], $0xffff;
	v49 =	vor.u32 v12, v36  }
0x18e: {  	v52 =	vld.idx.msk [tilespmem:v53+s18+$0x0], $0xffff;
	[tilespmem:v54+s25+$0x0] =	vst.idx.msk $0xffff, v30;
	v53 =	vor.u32 v13, v31;
	v30 =	vor.u32 v13, v32  }
0x18f: {  	v55 =	vor.u32 v14, v33;
	v54 =	vor.u32 v5, v20;
	[tilespmem:v42+s25+$0x0] =	vst.idx.msk $0xffff, v45;
	v32 =	vld.idx.msk [tilespmem:v39+s18+$0x0], $0xffff  }
.Ltmp4:
0x190: {  	v34 =	vor.u32 v5, v25;
	v31 =	vor.u32 v6, v27;
	v33 =	vld.idx.msk [tilespmem:v48+s18+$0x0], $0xffff;
	[tilespmem:v35+s25+$0x0] =	vst.idx.msk $0xffff, v46;
	(pc) =	sbr.rel @p4 .LBB2_7-.Ltmp4, $4  }
0x191: {  	v37 =	vor.u32 v10, v23;
	v36 =	vor.u32 v7, v18;
	[tilespmem:v38+s25+$0x0] =	vst.idx.msk $0xffff, v41;
	v39 =	vld.idx.msk [tilespmem:v51+s18+$0x0], $0xffff  }
0x192: {  	v45 =	vor.u32 v8, v23;
	v41 =	vor.u32 v9, v18;
	v44 =	vld.idx.msk [tilespmem:v40+s18+$0x0], $0xffff;
	[tilespmem:v50+s25+$0x0] =	vst.idx.msk $0xffff, v47  }
0x193: {  	v42 =	vor.u32 v7, v20;
	v46 =	vor.u32 v7, v26;
	[tilespmem:v53+s25+$0x0] =	vst.idx.msk $0xffff, v43;
	v40 =	vld.idx.msk [tilespmem:v49+s18+$0x0], $0xffff  }
0x194: {  	s8 =	smov.u32 s7;
	v47 =	vor.u32 v8, v24;
	v43 =	vor.u32 v8, v27;
	[tilespmem:v54+s25+$0x0] =	vst.idx.msk $0xffff, v52;
	v38 =	vld.idx.msk [tilespmem:v55+s18+$0x0], $0xffff  }
0x195: {  	v35 =	vor.u32 v6, v22;
	_ =	sdelay $0x3  }
0x196: {  	v31 =	vld.idx.msk [tilespmem:v31+s18+$0x0], $0xffff;
	[tilespmem:v34+s25+$0x0] =	vst.idx.msk $0xffff, v32  }
0x197: {  	v53 =	vor.u32 v7, v25;
	v32 =	vld.idx.msk [tilespmem:v35+s18+$0x0], $0xffff  }
0x198: {  	v54 =	vor.u32 v8, v22  }
0x199: {  	[tilespmem:v36+s25+$0x0] =	vst.idx.msk $0xffff, v33  }
0x19a: {  	v33 =	vld.idx.msk [tilespmem:v45+s18+$0x0], $0xffff;
	[tilespmem:v46+s25+$0x0] =	vst.idx.msk $0xffff, v44  }
0x19b: {  	v57 =	vor.u32 v9, v26;
	v56 =	vld.idx.msk [tilespmem:v47+s18+$0x0], $0xffff;
	[tilespmem:v42+s25+$0x0] =	vst.idx.msk $0xffff, v31  }
0x19c: {  	v55 =	vor.u32 v9, v20;
	v59 =	vor.u32 v10, v24;
	v31 =	vld.idx.msk [tilespmem:v43+s18+$0x0], $0xffff;
	[tilespmem:v53+s25+$0x0] =	vst.idx.msk $0xffff, v32  }
0x19d: {  	v58 =	vor.u32 v10, v27;
	v60 =	vor.u32 v9, v25;
	v32 =	vld.idx.msk [tilespmem:v54+s18+$0x0], $0xffff  }
0x19e: {  	v61 =	vor.u32 v10, v22  }
0x19f: {  	[tilespmem:v41+s25+$0x0] =	vst.idx.msk $0xffff, v33  }
0x1a0: {  	v62 =	vor.u32 v11, v18;
	v33 =	vld.idx.msk [tilespmem:v37+s18+$0x0], $0xffff;
	[tilespmem:v57+s25+$0x0] =	vst.idx.msk $0xffff, v56  }
0x1a1: {  	v49 =	vor.u32 v11, v26;
	v34 =	vld.idx.msk [tilespmem:v59+s18+$0x0], $0xffff;
	[tilespmem:v55+s25+$0x0] =	vst.idx.msk $0xffff, v31;
	v31 =	vor.u32 v12, v23  }
0x1a2: {  	v63 =	vor.u32 v11, v20;
	v51 =	vor.u32 v12, v24;
	v36 =	vld.idx.msk [tilespmem:v58+s18+$0x0], $0xffff;
	[tilespmem:v60+s25+$0x0] =	vst.idx.msk $0xffff, v32  }
0x1a3: {  	v48 =	vor.u32 v12, v27;
	v50 =	vor.u32 v11, v25;
	v35 =	vld.idx.msk [tilespmem:v61+s18+$0x0], $0xffff  }
0x1a4: {  	v52 =	vor.u32 v12, v22  }
0x1a5: {  	[tilespmem:v62+s25+$0x0] =	vst.idx.msk $0xffff, v33  }
0x1a6: {  	v53 =	vor.u32 v13, v18;
	[tilespmem:v49+s25+$0x0] =	vst.idx.msk $0xffff, v34;
	v31 =	vld.idx.msk [tilespmem:v31+s18+$0x0], $0xffff  }
0x1a7: {  	v26 =	vor.u32 v13, v26;
	v23 =	vor.u32 v14, v23;
	v32 =	vld.idx.msk [tilespmem:v51+s18+$0x0], $0xffff;
	[tilespmem:v63+s25+$0x0] =	vst.idx.msk $0xffff, v36  }
0x1a8: {  	v24 =	vor.u32 v14, v24;
	v54 =	vor.u32 v13, v20;
	v36 =	vld.idx.msk [tilespmem:v48+s18+$0x0], $0xffff;
	[tilespmem:v50+s25+$0x0] =	vst.idx.msk $0xffff, v35  }
0x1a9: {  	v27 =	vor.u32 v14, v27;
	v25 =	vor.u32 v13, v25;
	[tilespmem:v28+s25+$0x0] =	vst.idx.msk $0xffff, v39;
	v28 =	vld.idx.msk [tilespmem:v52+s18+$0x0], $0xffff  }
0x1aa: {  	v22 =	vor.u32 v14, v22;
	[tilespmem:v30+s25+$0x0] =	vst.idx.msk $0xffff, v40  }
0x1ab: {  	v29 =	vld.idx.msk [tilespmem:v29+s18+$0x0], $0xffff;
	[tilespmem:v53+s25+$0x0] =	vst.idx.msk $0xffff, v31  }
0x1ac: {  	v18 =	vor.u32 v15, v18;
	[tilespmem:v26+s25+$0x0] =	vst.idx.msk $0xffff, v32;
	v23 =	vld.idx.msk [tilespmem:v23+s18+$0x0], $0xffff  }
0x1ad: {  	v24 =	vld.idx.msk [tilespmem:v24+s18+$0x0], $0xffff;
	[tilespmem:v54+s25+$0x0] =	vst.idx.msk $0xffff, v36  }
0x1ae: {  	v20 =	vor.u32 v15, v20;
	v27 =	vld.idx.msk [tilespmem:v27+s18+$0x0], $0xffff;
	[tilespmem:v25+s25+$0x0] =	vst.idx.msk $0xffff, v28  }
0x1af: {  	[tilespmem:v17+s25+$0x0] =	vst.idx.msk $0xffff, v38;
	v17 =	vld.idx.msk [tilespmem:v22+s18+$0x0], $0xffff  }
0x1b0: {  	[tilespmem:v16+s25+$0x0] =	vst.idx.msk $0xffff, v29  }
0x1b1: {  	[tilespmem:v18+s25+$0x0] =	vst.idx.msk $0xffff, v23  }
0x1b2: {  	[tilespmem:v19+s25+$0x0] =	vst.idx.msk $0xffff, v24  }
0x1b3: {  	s7 =	sshll.u32 @!p3 s12, $0x7;
	s8 =	simm.s32 @!p3 $0x400;
	[tilespmem:v20+s25+$0x0] =	vst.idx.msk $0xffff, v27  }
0x1b4: {  	s9 =	simm.s32 @!p3 $0x7A1400;
	s13 =	simm.s32 @!p3 $0x4000;
	s7 =	sadd.s32 @!p3 s7, s10;
	[tilespmem:v21+s25+$0x0] =	vst.idx.msk $0xffff, v17  }
0x1b5: {  	[tilespmem:s13], [sflag:$0x3] =	stream.strided.gather @!p3 [hbm4b:s7+s8], $0x2000, s9, s8, $0x38;
	[tilespmem:$0x18000] =	vst v63  }
0x1b6: {  	s8 =	sshll.u32 s12, $0xB  }
0x1b7: {  	s9 =	simm.s32 $0x0;
	s7 =	sand.u32 $0x1FFFF000, s8  }
0x1b8: {  	s12 =	simm.s32 $0x2;
	v16 =	vadd.s32 s9, v0;
	s7 =	sadd.s32 s3, s7  }
0x1b9: {  	v37 =	vand.u32 $0x3F, v16;
	v16 =	vadd.s32 s12, v0;
	[hbm4b:s7+s4] =	stream.linear.scatter [tilespmem:s25], [sflag:$0x7], $0x4000, $0x38;
	[tilespmem:$0x18000] =	vst v63  }
0x1ba: {  	s13 =	simm.s32 $0x1;
	v36 =	vshll.u32 v37, $0x7;
	v30 =	vand.u32 $0x3F, v16;
	_ =	swait.ge [sflag:s26], $0x2000  }
0x1bb: {  	v16 =	vadd.s32 s13, v0;
	v17 =	vor.u32 v0, v36;
	v31 =	vshll.u32 v30, $0x7;
	[sflag:s26] =	ssyncset.done $0x0  }
0x1bc: {  	s14 =	simm.s32 $0x3;
	s8 =	simm.s32 @!p2 $0x8;
	v34 =	vand.u32 $0x3F, v16;
	v16 =	vor.u32 v0, v31;
	[sflag:s26] =	ssyncadd.s32 $0xFFFFE000  }
0x1bd: {  	v18 =	vadd.s32 s14, v0;
	_ =	swait.ge @!p2 [sflag:s8], $0x4000  }
0x1be: {  	v32 =	vand.u32 $0x3F, v18;
	v35 =	vshll.u32 v34, $0x7;
	[sflag:s8] =	ssyncset.done @!p2 $0x0  }
0x1bf: {  	v33 =	vshll.u32 v32, $0x7;
	v18 =	vor.u32 v0, v35;
	[sflag:s8] =	ssyncadd.s32 @!p2 $0xFFFFC000  }
0x1c0: {  	v19 =	vor.u32 v0, v33;
	v20 =	vor.u32 v1, v37;
	v17 =	vld.idx.msk [tilespmem:v17+s19+$0x0], $0xffff  }
0x1c1: {  	v21 =	vor.u32 v2, v36;
	v22 =	vor.u32 v1, v30;
	v16 =	vld.idx.msk [tilespmem:v16+s19+$0x0], $0xffff  }
0x1c2: {  	v23 =	vor.u32 v2, v31;
	_ =	sdelay $0x1  }
0x1c3: {  	v24 =	vor.u32 v1, v34;
	v18 =	vld.idx.msk [tilespmem:v18+s19+$0x0], $0xffff  }
0x1c4: {  	v19 =	vld.idx.msk [tilespmem:v19+s19+$0x0], $0xffff;
	[tilespmem:v20+s28+$0x0] =	vst.idx.msk $0xffff, v17;
	v17 =	vor.u32 v1, v32;
	v20 =	vor.u32 v2, v35  }
0x1c5: {  	v26 =	vor.u32 v2, v33;
	v25 =	vor.u32 v3, v37;
	[tilespmem:v22+s28+$0x0] =	vst.idx.msk $0xffff, v16;
	v21 =	vld.idx.msk [tilespmem:v21+s19+$0x0], $0xffff  }
0x1c6: {  	v16 =	vor.u32 v4, v36;
	v22 =	vld.idx.msk [tilespmem:v23+s19+$0x0], $0xffff;
	v23 =	vor.u32 v3, v30;
	_ =	sdelay $0x1  }
0x1c7: {  	[tilespmem:v24+s28+$0x0] =	vst.idx.msk $0xffff, v18;
	v18 =	vor.u32 v4, v31  }
0x1c8: {  	[tilespmem:v17+s28+$0x0] =	vst.idx.msk $0xffff, v19;
	v17 =	vld.idx.msk [tilespmem:v20+s19+$0x0], $0xffff;
	v19 =	vor.u32 v3, v34  }
0x1c9: {  	v24 =	vor.u32 v3, v32;
	[tilespmem:v25+s28+$0x0] =	vst.idx.msk $0xffff, v21;
	v20 =	vld.idx.msk [tilespmem:v26+s19+$0x0], $0xffff;
	v21 =	vor.u32 v4, v35  }
0x1ca: {  	v26 =	vor.u32 v5, v37;
	[tilespmem:v23+s28+$0x0] =	vst.idx.msk $0xffff, v22;
	v23 =	vor.u32 v4, v33;
	v25 =	vld.idx.msk [tilespmem:v16+s19+$0x0], $0xffff  }
0x1cb: {  	v22 =	vor.u32 v6, v36  }
0x1cc: {  	v27 =	vor.u32 v5, v30;
	v18 =	vld.idx.msk [tilespmem:v18+s19+$0x0], $0xffff  }
0x1cd: {  	v59 =	vor.u32 v6, v33;
	[tilespmem:v19+s28+$0x0] =	vst.idx.msk $0xffff, v17;
	v19 =	vor.u32 v6, v31  }
0x1ce: {  	v48 =	vor.u32 v8, v33;
	v21 =	vld.idx.msk [tilespmem:v21+s19+$0x0], $0xffff;
	[tilespmem:v24+s28+$0x0] =	vst.idx.msk $0xffff, v20;
	v20 =	vor.u32 v5, v34  }
0x1cf: {  	v24 =	vor.u32 v6, v35;
	[tilespmem:v26+s28+$0x0] =	vst.idx.msk $0xffff, v25;
	v25 =	vor.u32 v5, v32;
	v28 =	vld.idx.msk [tilespmem:v23+s19+$0x0], $0xffff  }
0x1d0: {  	v55 =	vor.u32 v9, v37;
	v50 =	vor.u32 v15, v37;
	v26 =	vor.u32 v7, v37;
	v22 =	vld.idx.msk [tilespmem:v22+s19+$0x0], $0xffff  }
0x1d1: {  	s9 =	simm.s32 $0x4;
	v29 =	vor.u32 v10, v36;
	[tilespmem:v27+s28+$0x0] =	vst.idx.msk $0xffff, v18;
	v27 =	vor.u32 v8, v36  }
0x1d2: {  	v57 =	vor.u32 v7, v30;
	v62 =	vor.u32 v9, v30;
	v18 =	vadd.s32 s9, v0;
	v19 =	vld.idx.msk [tilespmem:v19+s19+$0x0], $0xffff  }
0x1d3: {  	s13 =	simm.s32 $0x7;
	v56 =	vor.u32 v7, v34;
	v18 =	vand.u32 $0x3F, v18;
	[tilespmem:v20+s28+$0x0] =	vst.idx.msk $0xffff, v21;
	v21 =	vor.u32 v8, v31  }
0x1d4: {  	s14 =	simm.s32 $0x6;
	v58 =	vor.u32 v8, v35;
	v23 =	vshll.u32 v18, $0x7;
	v60 =	vld.idx.msk [tilespmem:v24+s19+$0x0], $0xffff;
	v24 =	vadd.s32 s13, v0;
	[tilespmem:v25+s28+$0x0] =	vst.idx.msk $0xffff, v28  }
0x1d5: {  	s12 =	simm.s32 $0x5;
	v61 =	vor.u32 v0, v23;
	[tilespmem:v26+s28+$0x0] =	vst.idx.msk $0xffff, v22;
	v22 =	vadd.s32 s14, v0;
	v25 =	vand.u32 $0x3F, v24  }
0x1d6: {  	v20 =	vadd.s32 s12, v0;
	v28 =	vld.idx.msk [tilespmem:v27+s19+$0x0], $0xffff;
	v26 =	vand.u32 $0x3F, v22;
	v22 =	vshll.u32 v25, $0x7  }
0x1d7: {  	v63 =	vld.idx.msk [tilespmem:v59+s19+$0x0], $0xffff;
	[tilespmem:v57+s28+$0x0] =	vst.idx.msk $0xffff, v19;
	v57 =	vor.u32 v7, v32;
	v49 =	vor.u32 v0, v22  }
0x1d8: {  	v54 =	vor.u32 v12, v36;
	v20 =	vand.u32 $0x3F, v20;
	v24 =	vshll.u32 v26, $0x7;
	v40 =	vld.idx.msk [tilespmem:v21+s19+$0x0], $0xffff  }
0x1d9: {  	v52 =	vor.u32 v10, v35;
	v27 =	vshll.u32 v20, $0x7;
	v45 =	vor.u32 v0, v24  }
0x1da: {  	v59 =	vld.idx.msk [tilespmem:v61+s19+$0x0], $0xffff;
	[tilespmem:v56+s28+$0x0] =	vst.idx.msk $0xffff, v60;
	v56 =	vor.u32 v0, v27;
	v60 =	vor.u32 v1, v18  }
0x1db: {  	v43 =	vor.u32 v12, v35;
	v41 =	vld.idx.msk [tilespmem:v58+s19+$0x0], $0xffff;
	v58 =	vor.u32 v9, v34;
	[tilespmem:v55+s28+$0x0] =	vst.idx.msk $0xffff, v28  }
0x1dc: {  	v61 =	vor.u32 v2, v23;
	[tilespmem:v57+s28+$0x0] =	vst.idx.msk $0xffff, v63;
	v47 =	vld.idx.msk [tilespmem:v49+s19+$0x0], $0xffff;
	v57 =	vor.u32 v1, v25  }
0x1dd: {  	v16 =	vor.u32 v15, v32;
	v51 =	vld.idx.msk [tilespmem:v29+s19+$0x0], $0xffff;
	[tilespmem:v62+s28+$0x0] =	vst.idx.msk $0xffff, v40;
	v62 =	vor.u32 v11, v37  }
0x1de: {  	v17 =	vor.u32 v15, v30;
	v35 =	vor.u32 v14, v35;
	v53 =	vor.u32 v1, v26;
	v45 =	vld.idx.msk [tilespmem:v45+s19+$0x0], $0xffff  }
0x1df: {  	v39 =	vor.u32 v1, v20;
	v63 =	vor.u32 v2, v24;
	v42 =	vld.idx.msk [tilespmem:v56+s19+$0x0], $0xffff;
	[tilespmem:v60+s28+$0x0] =	vst.idx.msk $0xffff, v59  }
0x1e0: {  	v49 =	vor.u32 v9, v32;
	[tilespmem:v58+s28+$0x0] =	vst.idx.msk $0xffff, v41;
	v41 =	vld.idx.msk [tilespmem:v48+s19+$0x0], $0xffff;
	v48 =	vor.u32 v10, v31  }
0x1e1: {  	v60 =	vor.u32 v3, v18;
	v40 =	vld.idx.msk [tilespmem:v61+s19+$0x0], $0xffff;
	v61 =	vor.u32 v2, v22;
	[tilespmem:v57+s28+$0x0] =	vst.idx.msk $0xffff, v47  }
0x1e2: {  	v59 =	vor.u32 v11, v34;
	v58 =	vor.u32 v10, v33;
	v44 =	vld.idx.msk [tilespmem:v52+s19+$0x0], $0xffff;
	[tilespmem:v62+s28+$0x0] =	vst.idx.msk $0xffff, v51  }
0x1e3: {  	v55 =	vor.u32 v2, v27;
	v37 =	vor.u32 v13, v37;
	[tilespmem:v53+s28+$0x0] =	vst.idx.msk $0xffff, v45;
	v53 =	vld.idx.msk [tilespmem:v54+s19+$0x0], $0xffff  }
0x1e4: {  	v36 =	vor.u32 v14, v36;
	[tilespmem:v39+s28+$0x0] =	vst.idx.msk $0xffff, v42;
	v39 =	vld.idx.msk [tilespmem:v63+s19+$0x0], $0xffff;
	v63 =	vor.u32 v3, v26  }
0x1e5: {  	v57 =	vor.u32 v11, v30;
	v62 =	vor.u32 v4, v23;
	v48 =	vld.idx.msk [tilespmem:v48+s19+$0x0], $0xffff;
	[tilespmem:v49+s28+$0x0] =	vst.idx.msk $0xffff, v41  }
0x1e6: {  	v41 =	vor.u32 v4, v24;
	[tilespmem:v60+s28+$0x0] =	vst.idx.msk $0xffff, v40;
	v45 =	vld.idx.msk [tilespmem:v61+s19+$0x0], $0xffff;
	v61 =	vor.u32 v3, v25  }
0x1e7: {  	v19 =	vor.u32 v15, v26;
	v47 =	vld.idx.msk [tilespmem:v58+s19+$0x0], $0xffff;
	[tilespmem:v59+s28+$0x0] =	vst.idx.msk $0xffff, v44;
	v58 =	vor.u32 v11, v32  }
0x1e8: {  	v49 =	vld.idx.msk [tilespmem:v55+s19+$0x0], $0xffff;
	v60 =	vor.u32 v12, v31;
	v59 =	vor.u32 v3, v20;
	[tilespmem:v37+s28+$0x0] =	vst.idx.msk $0xffff, v53  }
0x1e9: {  	v38 =	vor.u32 v5, v26;
	v52 =	vor.u32 v4, v27;
	v42 =	vld.idx.msk [tilespmem:v43+s19+$0x0], $0xffff;
	[tilespmem:v63+s28+$0x0] =	vst.idx.msk $0xffff, v39  }
0x1ea: {  	v51 =	vld.idx.msk [tilespmem:v62+s19+$0x0], $0xffff;
	v62 =	vor.u32 v5, v18;
	v63 =	vor.u32 v4, v22;
	[tilespmem:v57+s28+$0x0] =	vst.idx.msk $0xffff, v48  }
0x1eb: {  	v43 =	vor.u32 v6, v23;
	v53 =	vor.u32 v13, v34;
	v41 =	vld.idx.msk [tilespmem:v41+s19+$0x0], $0xffff;
	[tilespmem:v61+s28+$0x0] =	vst.idx.msk $0xffff, v45  }
0x1ec: {  	v46 =	vor.u32 v7, v26;
	v21 =	vor.u32 v15, v25;
	v57 =	vld.idx.msk [tilespmem:v36+s19+$0x0], $0xffff;
	[tilespmem:v58+s28+$0x0] =	vst.idx.msk $0xffff, v47  }
0x1ed: {  	v28 =	vor.u32 v15, v34;
	[tilespmem:v59+s28+$0x0] =	vst.idx.msk $0xffff, v49;
	v58 =	vor.u32 v6, v24;
	v59 =	vld.idx.msk [tilespmem:v60+s19+$0x0], $0xffff  }
0x1ee: {  	v61 =	vor.u32 v13, v30;
	v30 =	vor.u32 v13, v32;
	v60 =	vor.u32 v12, v33;
	v52 =	vld.idx.msk [tilespmem:v52+s19+$0x0], $0xffff  }
0x1ef: {  	[tilespmem:v62+s28+$0x0] =	vst.idx.msk $0xffff, v51;
	v62 =	vor.u32 v5, v20;
	v32 =	vld.idx.msk [tilespmem:v63+s19+$0x0], $0xffff;
	v63 =	vor.u32 v14, v31  }
0x1f0: {  	v29 =	vor.u32 v14, v33;
	v33 =	vld.idx.msk [tilespmem:v43+s19+$0x0], $0xffff;
	v31 =	vor.u32 v6, v27;
	[tilespmem:v53+s28+$0x0] =	vst.idx.msk $0xffff, v42  }
0x1f1: {  	v34 =	vor.u32 v5, v25;
	v37 =	vor.u32 v10, v23;
	[tilespmem:v38+s28+$0x0] =	vst.idx.msk $0xffff, v41;
	v39 =	vld.idx.msk [tilespmem:v35+s19+$0x0], $0xffff  }
0x1f2: {  	v36 =	vor.u32 v7, v18;
	v45 =	vor.u32 v8, v23;
	[tilespmem:v50+s28+$0x0] =	vst.idx.msk $0xffff, v57;
	v44 =	vld.idx.msk [tilespmem:v58+s19+$0x0], $0xffff  }
0x1f3: {  	v47 =	vor.u32 v8, v24;
	v42 =	vor.u32 v7, v20;
	[tilespmem:v61+s28+$0x0] =	vst.idx.msk $0xffff, v59;
	v40 =	vld.idx.msk [tilespmem:v60+s19+$0x0], $0xffff  }
0x1f4: {  	s11 =	sadd.s32 $0x3, s11;
	s8 =	simm.s32 $0x8;
	v43 =	vor.u32 v8, v27;
	v41 =	vor.u32 v9, v18;
	[tilespmem:v62+s28+$0x0] =	vst.idx.msk $0xffff, v52;
	v38 =	vld.idx.msk [tilespmem:v63+s19+$0x0], $0xffff  }
.LBB2_9:
0x1f5: {  	v48 =	vadd.s32 s8, v0;
	s9 =	sadd.s32 $0x1, s8;
	v49 =	vld.idx.msk [tilespmem:v31+s19+$0x0], $0xffff;
	v50 =	vor.u32 v6, v22;
	v51 =	vmov v18  }
0x1f6: {  	s12 =	sadd.s32 $0x3, s8;
	[tilespmem:v34+s28+$0x0] =	vst.idx.msk $0xffff, v32;
	v52 =	vmovc v23;
	v35 =	vmovc v20;
	v31 =	vmov v26;
	v32 =	vmov v25;
	v34 =	vmov v27;
	s13 =	smov.u32 s8;
	s7 =	sadd.s32 $0x4, s8  }
0x1f7: {  	p2 =	slt.u32 s8, $0x3C;
	v18 =	vand.u32 $0x3F, v48;
	v20 =	vadd.s32 s9, v0;
	s9 =	sadd.s32 $0x2, s13;
	v25 =	vadd.s32 s12, v0;
	[tilespmem:v36+s28+$0x0] =	vst.idx.msk $0xffff, v33;
	v33 =	vmovc v24;
	v36 =	vmovc v22  }
0x1f8: {  	v23 =	vshll.u32 v18, $0x7;
	v20 =	vand.u32 $0x3F, v20;
	v22 =	vadd.s32 s9, v0;
	v45 =	vld.idx.msk [tilespmem:v45+s19+$0x0], $0xffff;
	[tilespmem:v28+s28+$0x0] =	vst.idx.msk $0xffff, v39;
	v39 =	vmovc v16  }
0x1f9: {  	v25 =	vand.u32 $0x3F, v25;
	v16 =	vmovc v21;
	v28 =	vor.u32 v0, v23;
	v26 =	vand.u32 $0x3F, v22;
	[tilespmem:v46+s28+$0x0] =	vst.idx.msk $0xffff, v44  }
0x1fa: {  	v27 =	vshll.u32 v20, $0x7;
	v22 =	vshll.u32 v25, $0x7;
	v24 =	vshll.u32 v26, $0x7;
	v44 =	vld.idx.msk [tilespmem:v47+s19+$0x0], $0xffff;
	[tilespmem:v30+s28+$0x0] =	vst.idx.msk $0xffff, v40  }
0x1fb: {  	v40 =	vor.u32 v9, v31;
	v30 =	vor.u32 v0, v24;
	[tilespmem:v17+s28+$0x0] =	vst.idx.msk $0xffff, v38;
	v29 =	vld.idx.msk [tilespmem:v29+s19+$0x0], $0xffff  }
0x1fc: {  	v21 =	vor.u32 v15, v25;
	v38 =	vor.u32 v15, v26;
	[tilespmem:v42+s28+$0x0] =	vst.idx.msk $0xffff, v49;
	v42 =	vld.idx.msk [tilespmem:v50+s19+$0x0], $0xffff  }
0x1fd: {  	v48 =	vor.u32 v7, v32;
	v46 =	vor.u32 v0, v27;
	v47 =	vor.u32 v9, v35;
	v43 =	vld.idx.msk [tilespmem:v43+s19+$0x0], $0xffff  }
0x1fe: {  	v17 =	vmov v19;
	v49 =	vor.u32 v0, v22;
	[tilespmem:v41+s28+$0x0] =	vst.idx.msk $0xffff, v45;
	v41 =	vor.u32 v8, v36  }
0x1ff: {  	v50 =	vor.u32 v15, v51;
	v19 =	vmov v38;
	v45 =	vld.idx.msk [tilespmem:v28+s19+$0x0], $0xffff;
	v28 =	vor.u32 v15, v35  }
0x200: {  	v53 =	vor.u32 v10, v34;
	v38 =	vor.u32 v1, v18;
	v37 =	vld.idx.msk [tilespmem:v37+s19+$0x0], $0xffff;
	[tilespmem:v40+s28+$0x0] =	vst.idx.msk $0xffff, v44  }
0x201: {  	v40 =	vor.u32 v2, v23;
	v44 =	vor.u32 v11, v51;
	v30 =	vld.idx.msk [tilespmem:v30+s19+$0x0], $0xffff;
	[tilespmem:v39+s28+$0x0] =	vst.idx.msk $0xffff, v29  }
0x202: {  	v54 =	vor.u32 v12, v52;
	v39 =	vld.idx.msk [tilespmem:v46+s19+$0x0], $0xffff;
	v46 =	vor.u32 v1, v26;
	[tilespmem:v48+s28+$0x0] =	vst.idx.msk $0xffff, v42  }
0x203: {  	v42 =	vor.u32 v1, v20;
	v48 =	vor.u32 v2, v24;
	[tilespmem:v47+s28+$0x0] =	vst.idx.msk $0xffff, v43;
	v41 =	vld.idx.msk [tilespmem:v41+s19+$0x0], $0xffff  }
0x204: {  	v29 =	vor.u32 v14, v36;
	v47 =	vor.u32 v10, v33;
	v43 =	vld.idx.msk [tilespmem:v49+s19+$0x0], $0xffff;
	v49 =	vor.u32 v9, v32  }
0x205: {  	[tilespmem:v38+s28+$0x0] =	vst.idx.msk $0xffff, v45;
	v38 =	vor.u32 v1, v25;
	v45 =	vld.idx.msk [tilespmem:v53+s19+$0x0], $0xffff;
	v53 =	vor.u32 v10, v36  }
0x206: {  	v55 =	vor.u32 v2, v27;
	v40 =	vld.idx.msk [tilespmem:v40+s19+$0x0], $0xffff;
	[tilespmem:v44+s28+$0x0] =	vst.idx.msk $0xffff, v37;
	v37 =	vor.u32 v11, v35  }
0x207: {  	v44 =	vor.u32 v3, v18;
	[tilespmem:v46+s28+$0x0] =	vst.idx.msk $0xffff, v30;
	v30 =	vor.u32 v2, v22;
	v46 =	vld.idx.msk [tilespmem:v54+s19+$0x0], $0xffff  }
0x208: {  	v54 =	vor.u32 v4, v23;
	[tilespmem:v42+s28+$0x0] =	vst.idx.msk $0xffff, v39;
	v39 =	vld.idx.msk [tilespmem:v48+s19+$0x0], $0xffff;
	v42 =	vor.u32 v13, v51  }
0x209: {  	v48 =	vor.u32 v3, v26;
	v51 =	vor.u32 v12, v34;
	v47 =	vld.idx.msk [tilespmem:v47+s19+$0x0], $0xffff;
	[tilespmem:v49+s28+$0x0] =	vst.idx.msk $0xffff, v41  }
0x20a: {  	v41 =	vor.u32 v4, v24;
	[tilespmem:v38+s28+$0x0] =	vst.idx.msk $0xffff, v43;
	v38 =	vor.u32 v11, v31;
	v43 =	vld.idx.msk [tilespmem:v53+s19+$0x0], $0xffff  }
0x20b: {  	v52 =	vor.u32 v14, v52;
	v49 =	vld.idx.msk [tilespmem:v55+s19+$0x0], $0xffff;
	[tilespmem:v37+s28+$0x0] =	vst.idx.msk $0xffff, v45;
	v37 =	vor.u32 v11, v32  }
0x20c: {  	[tilespmem:v44+s28+$0x0] =	vst.idx.msk $0xffff, v40;
	v40 =	vor.u32 v3, v20;
	v30 =	vld.idx.msk [tilespmem:v30+s19+$0x0], $0xffff;
	v44 =	vor.u32 v12, v33  }
0x20d: {  	v53 =	vor.u32 v4, v27;
	v45 =	vld.idx.msk [tilespmem:v54+s19+$0x0], $0xffff;
	v54 =	vor.u32 v3, v25;
	[tilespmem:v42+s28+$0x0] =	vst.idx.msk $0xffff, v46  }
0x20e: {  	v42 =	vor.u32 v5, v18;
	[tilespmem:v48+s28+$0x0] =	vst.idx.msk $0xffff, v39;
	v39 =	vor.u32 v4, v22;
	v46 =	vld.idx.msk [tilespmem:v51+s19+$0x0], $0xffff  }
0x20f: {  	v35 =	vor.u32 v13, v35;
	v48 =	vor.u32 v6, v23;
	v41 =	vld.idx.msk [tilespmem:v41+s19+$0x0], $0xffff;
	[tilespmem:v38+s28+$0x0] =	vst.idx.msk $0xffff, v47  }
0x210: {  	v51 =	vor.u32 v14, v34;
	v38 =	vor.u32 v5, v26;
	v47 =	vld.idx.msk [tilespmem:v52+s19+$0x0], $0xffff;
	[tilespmem:v37+s28+$0x0] =	vst.idx.msk $0xffff, v43  }
0x211: {  	[tilespmem:v40+s28+$0x0] =	vst.idx.msk $0xffff, v49;
	v40 =	vor.u32 v6, v24;
	v43 =	vld.idx.msk [tilespmem:v44+s19+$0x0], $0xffff;
	v49 =	vor.u32 v12, v36  }
0x212: {  	v52 =	vld.idx.msk [tilespmem:v53+s19+$0x0], $0xffff;
	[tilespmem:v54+s28+$0x0] =	vst.idx.msk $0xffff, v30;
	v53 =	vor.u32 v13, v31;
	v30 =	vor.u32 v13, v32  }
0x213: {  	v55 =	vor.u32 v14, v33;
	v54 =	vor.u32 v5, v20;
	[tilespmem:v42+s28+$0x0] =	vst.idx.msk $0xffff, v45;
	v32 =	vld.idx.msk [tilespmem:v39+s19+$0x0], $0xffff  }
.Ltmp5:
0x214: {  	v34 =	vor.u32 v5, v25;
	v31 =	vor.u32 v6, v27;
	v33 =	vld.idx.msk [tilespmem:v48+s19+$0x0], $0xffff;
	[tilespmem:v35+s28+$0x0] =	vst.idx.msk $0xffff, v46;
	(pc) =	sbr.rel @p2 .LBB2_9-.Ltmp5, $4  }
0x215: {  	v37 =	vor.u32 v10, v23;
	v36 =	vor.u32 v7, v18;
	[tilespmem:v38+s28+$0x0] =	vst.idx.msk $0xffff, v41;
	v39 =	vld.idx.msk [tilespmem:v51+s19+$0x0], $0xffff  }
0x216: {  	v45 =	vor.u32 v8, v23;
	v41 =	vor.u32 v9, v18;
	v44 =	vld.idx.msk [tilespmem:v40+s19+$0x0], $0xffff;
	[tilespmem:v50+s28+$0x0] =	vst.idx.msk $0xffff, v47  }
0x217: {  	v42 =	vor.u32 v7, v20;
	v46 =	vor.u32 v7, v26;
	[tilespmem:v53+s28+$0x0] =	vst.idx.msk $0xffff, v43;
	v40 =	vld.idx.msk [tilespmem:v49+s19+$0x0], $0xffff  }
0x218: {  	s8 =	smov.u32 s7;
	v47 =	vor.u32 v8, v24;
	v43 =	vor.u32 v8, v27;
	[tilespmem:v54+s28+$0x0] =	vst.idx.msk $0xffff, v52;
	v38 =	vld.idx.msk [tilespmem:v55+s19+$0x0], $0xffff  }
0x219: {  	v35 =	vor.u32 v6, v22;
	_ =	sdelay $0x3  }
0x21a: {  	v31 =	vld.idx.msk [tilespmem:v31+s19+$0x0], $0xffff;
	[tilespmem:v34+s28+$0x0] =	vst.idx.msk $0xffff, v32  }
0x21b: {  	v52 =	vor.u32 v7, v25;
	v32 =	vld.idx.msk [tilespmem:v35+s19+$0x0], $0xffff  }
0x21c: {  	v53 =	vor.u32 v8, v22  }
0x21d: {  	[tilespmem:v36+s28+$0x0] =	vst.idx.msk $0xffff, v33  }
0x21e: {  	v33 =	vld.idx.msk [tilespmem:v45+s19+$0x0], $0xffff;
	[tilespmem:v46+s28+$0x0] =	vst.idx.msk $0xffff, v44  }
0x21f: {  	v56 =	vor.u32 v9, v26;
	v55 =	vld.idx.msk [tilespmem:v47+s19+$0x0], $0xffff;
	[tilespmem:v42+s28+$0x0] =	vst.idx.msk $0xffff, v31  }
0x220: {  	v54 =	vor.u32 v9, v20;
	v58 =	vor.u32 v10, v24;
	v31 =	vld.idx.msk [tilespmem:v43+s19+$0x0], $0xffff;
	[tilespmem:v52+s28+$0x0] =	vst.idx.msk $0xffff, v32  }
0x221: {  	v57 =	vor.u32 v10, v27;
	v59 =	vor.u32 v9, v25;
	v32 =	vld.idx.msk [tilespmem:v53+s19+$0x0], $0xffff  }
0x222: {  	v60 =	vor.u32 v10, v22  }
0x223: {  	[tilespmem:v41+s28+$0x0] =	vst.idx.msk $0xffff, v33  }
0x224: {  	v61 =	vor.u32 v11, v18;
	v33 =	vld.idx.msk [tilespmem:v37+s19+$0x0], $0xffff;
	[tilespmem:v56+s28+$0x0] =	vst.idx.msk $0xffff, v55  }
0x225: {  	v62 =	vor.u32 v12, v23;
	v49 =	vor.u32 v11, v26;
	v34 =	vld.idx.msk [tilespmem:v58+s19+$0x0], $0xffff;
	[tilespmem:v54+s28+$0x0] =	vst.idx.msk $0xffff, v31  }
0x226: {  	v63 =	vor.u32 v11, v20;
	v51 =	vor.u32 v12, v24;
	v36 =	vld.idx.msk [tilespmem:v57+s19+$0x0], $0xffff;
	[tilespmem:v59+s28+$0x0] =	vst.idx.msk $0xffff, v32  }
0x227: {  	v48 =	vor.u32 v12, v27;
	v50 =	vor.u32 v11, v25;
	v35 =	vld.idx.msk [tilespmem:v60+s19+$0x0], $0xffff  }
0x228: {  	v52 =	vor.u32 v12, v22  }
0x229: {  	[tilespmem:v61+s28+$0x0] =	vst.idx.msk $0xffff, v33  }
0x22a: {  	v53 =	vor.u32 v13, v18;
	v31 =	vld.idx.msk [tilespmem:v62+s19+$0x0], $0xffff;
	[tilespmem:v49+s28+$0x0] =	vst.idx.msk $0xffff, v34  }
0x22b: {  	v54 =	vor.u32 v14, v23;
	v57 =	vor.u32 v13, v26;
	v32 =	vld.idx.msk [tilespmem:v51+s19+$0x0], $0xffff;
	[tilespmem:v63+s28+$0x0] =	vst.idx.msk $0xffff, v36  }
0x22c: {  	v55 =	vor.u32 v13, v20;
	v59 =	vor.u32 v14, v24;
	v36 =	vld.idx.msk [tilespmem:v48+s19+$0x0], $0xffff;
	[tilespmem:v50+s28+$0x0] =	vst.idx.msk $0xffff, v35  }
0x22d: {  	[tilespmem:v28+s28+$0x0] =	vst.idx.msk $0xffff, v39;
	v56 =	vor.u32 v14, v27;
	v58 =	vor.u32 v13, v25;
	v60 =	vld.idx.msk [tilespmem:v52+s19+$0x0], $0xffff  }
0x22e: {  	[tilespmem:v30+s28+$0x0] =	vst.idx.msk $0xffff, v40;
	v61 =	vor.u32 v14, v22  }
0x22f: {  	v29 =	vld.idx.msk [tilespmem:v29+s19+$0x0], $0xffff;
	[tilespmem:v53+s28+$0x0] =	vst.idx.msk $0xffff, v31  }
0x230: {  	v62 =	vor.u32 v15, v18;
	v23 =	vld.idx.msk [tilespmem:v54+s19+$0x0], $0xffff;
	[tilespmem:v57+s28+$0x0] =	vst.idx.msk $0xffff, v32  }
0x231: {  	v24 =	vld.idx.msk [tilespmem:v59+s19+$0x0], $0xffff;
	[tilespmem:v55+s28+$0x0] =	vst.idx.msk $0xffff, v36  }
0x232: {  	v63 =	vor.u32 v15, v20;
	v27 =	vld.idx.msk [tilespmem:v56+s19+$0x0], $0xffff;
	[tilespmem:v58+s28+$0x0] =	vst.idx.msk $0xffff, v60  }
0x233: {  	[tilespmem:v17+s28+$0x0] =	vst.idx.msk $0xffff, v38;
	v17 =	vld.idx.msk [tilespmem:v61+s19+$0x0], $0xffff  }
0x234: {  	[tilespmem:v16+s28+$0x0] =	vst.idx.msk $0xffff, v29  }
0x235: {  	[tilespmem:v62+s28+$0x0] =	vst.idx.msk $0xffff, v23  }
0x236: {  	s7 =	sshll.u32 @!p3 s11, $0x7;
	s8 =	simm.s32 @!p3 $0x400;
	s2 =	sadd.s32 $0x1, s2;
	[tilespmem:v19+s28+$0x0] =	vst.idx.msk $0xffff, v24  }
0x237: {  	s9 =	simm.s32 @!p3 $0x7A1400;
	s12 =	simm.s32 @!p3 $0x6000;
	p2 =	sne.s32 s2, $0x3D;
	[tilespmem:v63+s28+$0x0] =	vst.idx.msk $0xffff, v27  }
.Ltmp6:
0x238: {  	s14 =	sshll.u32 s11, $0xB;
	s7 =	sadd.s32 @!p3 s7, s10;
	[tilespmem:v21+s28+$0x0] =	vst.idx.msk $0xffff, v17;
	(pc) =	sbr.rel @p2 .LBB2_2-.Ltmp6, $4  }
0x239: {  	[tilespmem:s12], [sflag:$0x4] =	stream.strided.gather @!p3 [hbm4b:s7+s8], $0x2000, s9, s8, $0x38;
	[tilespmem:$0x18000] =	vst v63  }
0x23a: {  	s7 =	sand.u32 $0x1FFFF800, s14  }
0x23b: {  	s7 =	sadd.s32 s3, s7  }
0x23c: {  	[hbm4b:s7+s4] =	stream.linear.scatter [tilespmem:s28], [sflag:$0x8], $0x4000, $0x38;
	[tilespmem:$0x18000] =	vst v63  }
0x23d: {  	_ =	swait.ge [sflag:s29], $0x4000  }
0x23e: {  	[sflag:s29] =	ssyncset.done $0x0  }
0x23f: {  	[sflag:s29] =	ssyncadd.s32 $0xFFFFC000  }
0x240: {  	_ =	swait.ge [sflag:s30], $0x4000  }
0x241: {  	[sflag:s30] =	ssyncset.done $0x0  }
0x242: {  	[sflag:s30] =	ssyncadd.s32 $0xFFFFC000  }
0x243: {  	_ =	swait.ge [sflag:s31], $0x4000  }
.Ltmp7:
0x244: {  	[sflag:s31] =	ssyncset.done $0x0;
	(pc) =	sbr.rel @p1 .LBB2_15-.Ltmp7, $4  }
0x245: {  	[sflag:s31] =	ssyncadd.s32 $0xFFFFC000  }
0x246: {  	_ =	swait.ge [sflag:s0], $0x4000  }
0x247: {  	[sflag:s0] =	ssyncset.done $0x0  }
0x248: {  	[sflag:s0] =	ssyncadd.s32 $0xFFFFC000  }
0x249: {  	s2 =	simm.s32 $0x0  }
0x24a: {  	v16 =	vadd.s32 s2, v0  }
0x24b: {  	s7 =	simm.s32 $0x2;
	s8 =	rddreg [dreg:$0x7];
	v37 =	vand.u32 $0x3F, v16  }
0x24c: {  	[tilespmem:s2], [sflag:$0x1] =	stream.strided.gather [hbm4b:s8+s15], $0x2000, s16, s15, $0x38;
	v16 =	vadd.s32 s7, v0;
	v36 =	vshll.u32 v37, $0x7;
	[tilespmem:$0x18000] =	vst v63  }
0x24d: {  	s8 =	simm.s32 $0x1;
	v31 =	vand.u32 $0x3F, v16;
	v17 =	vor.u32 v0, v36  }
0x24e: {  	s9 =	simm.s32 $0x3;
	v16 =	vadd.s32 s8, v0;
	v30 =	vshll.u32 v31, $0x7  }
0x24f: {  	v18 =	vadd.s32 s9, v0;
	_ =	swait.ge [sflag:s20], $0x2000;
	v34 =	vand.u32 $0x3F, v16;
	v16 =	vor.u32 v0, v30  }
0x250: {  	v32 =	vand.u32 $0x3F, v18;
	[sflag:s20] =	ssyncset.done $0x0;
	v35 =	vshll.u32 v34, $0x7  }
0x251: {  	v33 =	vshll.u32 v32, $0x7;
	[sflag:s20] =	ssyncadd.s32 $0xFFFFE000;
	v18 =	vor.u32 v0, v35  }
0x252: {  	v20 =	vor.u32 v1, v37;
	v19 =	vor.u32 v0, v33;
	v17 =	vld.idx.msk [tilespmem:v17+s4+$0x0], $0xffff  }
0x253: {  	v21 =	vor.u32 v2, v36  }
0x254: {  	v22 =	vor.u32 v1, v31;
	v16 =	vld.idx.msk [tilespmem:v16+s4+$0x0], $0xffff  }
0x255: {  	v23 =	vor.u32 v2, v30  }
0x256: {  	v24 =	vor.u32 v1, v34;
	v18 =	vld.idx.msk [tilespmem:v18+s4+$0x0], $0xffff  }
0x257: {  	v19 =	vld.idx.msk [tilespmem:v19+s4+$0x0], $0xffff;
	[tilespmem:v20+s21+$0x0] =	vst.idx.msk $0xffff, v17;
	v17 =	vor.u32 v1, v32;
	v20 =	vor.u32 v2, v35  }
0x258: {  	v25 =	vor.u32 v3, v37;
	v26 =	vor.u32 v2, v33;
	v21 =	vld.idx.msk [tilespmem:v21+s4+$0x0], $0xffff  }
0x259: {  	[tilespmem:v22+s21+$0x0] =	vst.idx.msk $0xffff, v16;
	v16 =	vor.u32 v4, v36  }
0x25a: {  	v22 =	vld.idx.msk [tilespmem:v23+s4+$0x0], $0xffff;
	v23 =	vor.u32 v3, v31  }
0x25b: {  	[tilespmem:v24+s21+$0x0] =	vst.idx.msk $0xffff, v18;
	v18 =	vor.u32 v4, v30  }
0x25c: {  	[tilespmem:v17+s21+$0x0] =	vst.idx.msk $0xffff, v19;
	v17 =	vld.idx.msk [tilespmem:v20+s4+$0x0], $0xffff;
	v19 =	vor.u32 v3, v34  }
0x25d: {  	v24 =	vor.u32 v3, v32;
	[tilespmem:v25+s21+$0x0] =	vst.idx.msk $0xffff, v21;
	v20 =	vld.idx.msk [tilespmem:v26+s4+$0x0], $0xffff;
	v21 =	vor.u32 v4, v35  }
0x25e: {  	v26 =	vor.u32 v5, v37;
	v25 =	vld.idx.msk [tilespmem:v16+s4+$0x0], $0xffff  }
0x25f: {  	[tilespmem:v23+s21+$0x0] =	vst.idx.msk $0xffff, v22;
	v22 =	vor.u32 v6, v36  }
0x260: {  	v27 =	vor.u32 v5, v31;
	v23 =	vor.u32 v4, v33;
	v18 =	vld.idx.msk [tilespmem:v18+s4+$0x0], $0xffff  }
0x261: {  	v38 =	vor.u32 v9, v37;
	v58 =	vor.u32 v7, v32;
	[tilespmem:v19+s21+$0x0] =	vst.idx.msk $0xffff, v17  }
0x262: {  	v19 =	vor.u32 v6, v30;
	v21 =	vld.idx.msk [tilespmem:v21+s4+$0x0], $0xffff;
	[tilespmem:v24+s21+$0x0] =	vst.idx.msk $0xffff, v20;
	v20 =	vor.u32 v5, v34  }
0x263: {  	v50 =	vor.u32 v15, v37;
	v24 =	vor.u32 v6, v35;
	[tilespmem:v26+s21+$0x0] =	vst.idx.msk $0xffff, v25  }
0x264: {  	v62 =	vor.u32 v11, v37;
	v29 =	vor.u32 v10, v36;
	v26 =	vor.u32 v7, v37;
	v22 =	vld.idx.msk [tilespmem:v22+s4+$0x0], $0xffff  }
0x265: {  	v25 =	vor.u32 v5, v32;
	v28 =	vld.idx.msk [tilespmem:v23+s4+$0x0], $0xffff;
	[tilespmem:v27+s21+$0x0] =	vst.idx.msk $0xffff, v18;
	v27 =	vor.u32 v8, v36  }
0x266: {  	s11 =	simm.s32 $0x4;
	v40 =	vor.u32 v7, v31;
	v42 =	vor.u32 v6, v33;
	v46 =	vor.u32 v9, v31  }
0x267: {  	v48 =	vor.u32 v8, v33;
	v18 =	vadd.s32 s11, v0;
	v19 =	vld.idx.msk [tilespmem:v19+s4+$0x0], $0xffff;
	[tilespmem:v20+s21+$0x0] =	vst.idx.msk $0xffff, v21  }
0x268: {  	s12 =	simm.s32 $0x5;
	v39 =	vor.u32 v7, v34;
	v18 =	vand.u32 $0x3F, v18;
	v21 =	vor.u32 v8, v30;
	v43 =	vld.idx.msk [tilespmem:v24+s4+$0x0], $0xffff  }
0x269: {  	s14 =	simm.s32 $0x6;
	v41 =	vor.u32 v8, v35;
	v23 =	vshll.u32 v18, $0x7;
	v20 =	vadd.s32 s12, v0;
	[tilespmem:v26+s21+$0x0] =	vst.idx.msk $0xffff, v22  }
0x26a: {  	s13 =	simm.s32 $0x7;
	v44 =	vor.u32 v0, v23;
	v20 =	vand.u32 $0x3F, v20;
	[tilespmem:v25+s21+$0x0] =	vst.idx.msk $0xffff, v28;
	v22 =	vadd.s32 s14, v0;
	v28 =	vld.idx.msk [tilespmem:v27+s4+$0x0], $0xffff  }
0x26b: {  	v24 =	vadd.s32 s13, v0;
	v26 =	vand.u32 $0x3F, v22;
	v27 =	vshll.u32 v20, $0x7  }
0x26c: {  	v25 =	vand.u32 $0x3F, v24;
	v63 =	vld.idx.msk [tilespmem:v42+s4+$0x0], $0xffff;
	[tilespmem:v40+s21+$0x0] =	vst.idx.msk $0xffff, v19;
	v24 =	vshll.u32 v26, $0x7;
	v57 =	vor.u32 v0, v27  }
0x26d: {  	v54 =	vor.u32 v12, v36;
	v40 =	vld.idx.msk [tilespmem:v21+s4+$0x0], $0xffff;
	v45 =	vor.u32 v0, v24;
	[tilespmem:v39+s21+$0x0] =	vst.idx.msk $0xffff, v43  }
0x26e: {  	v47 =	vor.u32 v9, v34;
	v52 =	vor.u32 v10, v35;
	v22 =	vshll.u32 v25, $0x7;
	v41 =	vld.idx.msk [tilespmem:v41+s4+$0x0], $0xffff  }
0x26f: {  	v60 =	vor.u32 v1, v18;
	v49 =	vor.u32 v0, v22;
	v59 =	vld.idx.msk [tilespmem:v44+s4+$0x0], $0xffff;
	[tilespmem:v38+s21+$0x0] =	vst.idx.msk $0xffff, v28  }
0x270: {  	v16 =	vor.u32 v15, v32;
	v17 =	vor.u32 v15, v31;
	v61 =	vor.u32 v2, v23;
	v51 =	vld.idx.msk [tilespmem:v29+s4+$0x0], $0xffff  }
0x271: {  	v37 =	vor.u32 v13, v37;
	v36 =	vor.u32 v14, v36;
	v19 =	vor.u32 v15, v26;
	v42 =	vld.idx.msk [tilespmem:v57+s4+$0x0], $0xffff  }
0x272: {  	v53 =	vor.u32 v1, v26;
	v55 =	vor.u32 v2, v27;
	[tilespmem:v58+s21+$0x0] =	vst.idx.msk $0xffff, v63;
	v45 =	vld.idx.msk [tilespmem:v45+s4+$0x0], $0xffff  }
0x273: {  	v39 =	vor.u32 v1, v20;
	v63 =	vor.u32 v2, v24;
	[tilespmem:v47+s21+$0x0] =	vst.idx.msk $0xffff, v41;
	v41 =	vld.idx.msk [tilespmem:v48+s4+$0x0], $0xffff  }
0x274: {  	[tilespmem:v60+s21+$0x0] =	vst.idx.msk $0xffff, v59;
	v47 =	vld.idx.msk [tilespmem:v49+s4+$0x0], $0xffff;
	v48 =	vor.u32 v10, v30;
	v49 =	vor.u32 v9, v32  }
0x275: {  	v21 =	vor.u32 v15, v25;
	v57 =	vor.u32 v1, v25;
	[tilespmem:v46+s21+$0x0] =	vst.idx.msk $0xffff, v40;
	v40 =	vld.idx.msk [tilespmem:v61+s4+$0x0], $0xffff  }
0x276: {  	v58 =	vor.u32 v10, v33;
	v60 =	vor.u32 v3, v18;
	v44 =	vld.idx.msk [tilespmem:v52+s4+$0x0], $0xffff;
	[tilespmem:v62+s21+$0x0] =	vst.idx.msk $0xffff, v51  }
0x277: {  	v59 =	vor.u32 v11, v34;
	v61 =	vor.u32 v2, v22;
	[tilespmem:v53+s21+$0x0] =	vst.idx.msk $0xffff, v45;
	v53 =	vld.idx.msk [tilespmem:v54+s4+$0x0], $0xffff  }
0x278: {  	v43 =	vor.u32 v12, v35;
	v62 =	vor.u32 v4, v23;
	[tilespmem:v39+s21+$0x0] =	vst.idx.msk $0xffff, v42;
	v39 =	vld.idx.msk [tilespmem:v63+s4+$0x0], $0xffff  }
0x279: {  	v35 =	vor.u32 v14, v35;
	v63 =	vor.u32 v3, v26;
	v48 =	vld.idx.msk [tilespmem:v48+s4+$0x0], $0xffff;
	[tilespmem:v49+s21+$0x0] =	vst.idx.msk $0xffff, v41  }
0x27a: {  	v41 =	vor.u32 v4, v24;
	[tilespmem:v57+s21+$0x0] =	vst.idx.msk $0xffff, v47;
	v57 =	vor.u32 v11, v31;
	v49 =	vld.idx.msk [tilespmem:v55+s4+$0x0], $0xffff  }
0x27b: {  	v28 =	vor.u32 v15, v34;
	[tilespmem:v60+s21+$0x0] =	vst.idx.msk $0xffff, v40;
	v47 =	vld.idx.msk [tilespmem:v58+s4+$0x0], $0xffff;
	v58 =	vor.u32 v11, v32  }
0x27c: {  	v60 =	vor.u32 v12, v30;
	[tilespmem:v59+s21+$0x0] =	vst.idx.msk $0xffff, v44;
	v59 =	vor.u32 v3, v20;
	v45 =	vld.idx.msk [tilespmem:v61+s4+$0x0], $0xffff  }
0x27d: {  	v52 =	vor.u32 v4, v27;
	v61 =	vor.u32 v3, v25;
	v51 =	vld.idx.msk [tilespmem:v62+s4+$0x0], $0xffff;
	[tilespmem:v37+s21+$0x0] =	vst.idx.msk $0xffff, v53  }
0x27e: {  	v62 =	vor.u32 v5, v18;
	v42 =	vld.idx.msk [tilespmem:v43+s4+$0x0], $0xffff;
	[tilespmem:v63+s21+$0x0] =	vst.idx.msk $0xffff, v39;
	v63 =	vor.u32 v4, v22  }
0x27f: {  	v43 =	vor.u32 v6, v23;
	v53 =	vor.u32 v13, v34;
	v41 =	vld.idx.msk [tilespmem:v41+s4+$0x0], $0xffff;
	[tilespmem:v57+s21+$0x0] =	vst.idx.msk $0xffff, v48  }
0x280: {  	v38 =	vor.u32 v5, v26;
	v29 =	vor.u32 v14, v33;
	v57 =	vld.idx.msk [tilespmem:v36+s4+$0x0], $0xffff;
	[tilespmem:v58+s21+$0x0] =	vst.idx.msk $0xffff, v47  }
0x281: {  	[tilespmem:v59+s21+$0x0] =	vst.idx.msk $0xffff, v49;
	v58 =	vor.u32 v6, v24;
	v59 =	vld.idx.msk [tilespmem:v60+s4+$0x0], $0xffff;
	v60 =	vor.u32 v12, v33  }
0x282: {  	[tilespmem:v61+s21+$0x0] =	vst.idx.msk $0xffff, v45;
	v61 =	vor.u32 v13, v31;
	v31 =	vor.u32 v13, v32;
	v52 =	vld.idx.msk [tilespmem:v52+s4+$0x0], $0xffff  }
0x283: {  	[tilespmem:v62+s21+$0x0] =	vst.idx.msk $0xffff, v51;
	v62 =	vor.u32 v5, v20;
	v32 =	vld.idx.msk [tilespmem:v63+s4+$0x0], $0xffff;
	v63 =	vor.u32 v14, v30  }
0x284: {  	v46 =	vor.u32 v7, v26;
	v33 =	vld.idx.msk [tilespmem:v43+s4+$0x0], $0xffff;
	[tilespmem:v53+s21+$0x0] =	vst.idx.msk $0xffff, v42;
	v30 =	vor.u32 v6, v27  }
0x285: {  	v34 =	vor.u32 v5, v25;
	v37 =	vor.u32 v10, v23;
	v39 =	vld.idx.msk [tilespmem:v35+s4+$0x0], $0xffff;
	[tilespmem:v38+s21+$0x0] =	vst.idx.msk $0xffff, v41  }
0x286: {  	v36 =	vor.u32 v7, v18;
	v45 =	vor.u32 v8, v23;
	[tilespmem:v50+s21+$0x0] =	vst.idx.msk $0xffff, v57;
	v44 =	vld.idx.msk [tilespmem:v58+s4+$0x0], $0xffff  }
0x287: {  	v47 =	vor.u32 v8, v24;
	v42 =	vor.u32 v7, v20;
	[tilespmem:v61+s21+$0x0] =	vst.idx.msk $0xffff, v59;
	v40 =	vld.idx.msk [tilespmem:v60+s4+$0x0], $0xffff  }
0x288: {  	s7 =	simm.s32 $0x8;
	v43 =	vor.u32 v8, v27;
	v41 =	vor.u32 v9, v18;
	[tilespmem:v62+s21+$0x0] =	vst.idx.msk $0xffff, v52;
	v38 =	vld.idx.msk [tilespmem:v63+s4+$0x0], $0xffff  }
.LBB2_13:
0x289: {  	v48 =	vadd.s32 s7, v0;
	s8 =	sadd.s32 $0x1, s7;
	v49 =	vld.idx.msk [tilespmem:v30+s4+$0x0], $0xffff;
	v50 =	vor.u32 v6, v22;
	v51 =	vmov v18  }
0x28a: {  	s9 =	sadd.s32 $0x3, s7;
	[tilespmem:v34+s21+$0x0] =	vst.idx.msk $0xffff, v32;
	v52 =	vmovc v23;
	v35 =	vmovc v20;
	v30 =	vmov v26;
	v32 =	vmov v25;
	v34 =	vmov v27;
	s11 =	smov.u32 s7;
	s2 =	sadd.s32 $0x4, s7  }
0x28b: {  	p2 =	slt.u32 s7, $0x3C;
	v18 =	vand.u32 $0x3F, v48;
	v20 =	vadd.s32 s8, v0;
	s8 =	sadd.s32 $0x2, s11;
	v25 =	vadd.s32 s9, v0;
	[tilespmem:v36+s21+$0x0] =	vst.idx.msk $0xffff, v33;
	v33 =	vmovc v24;
	v36 =	vmovc v22  }
0x28c: {  	v23 =	vshll.u32 v18, $0x7;
	v20 =	vand.u32 $0x3F, v20;
	v22 =	vadd.s32 s8, v0;
	v45 =	vld.idx.msk [tilespmem:v45+s4+$0x0], $0xffff;
	[tilespmem:v28+s21+$0x0] =	vst.idx.msk $0xffff, v39;
	v39 =	vmovc v16  }
0x28d: {  	v25 =	vand.u32 $0x3F, v25;
	v16 =	vmovc v21;
	v28 =	vor.u32 v0, v23;
	v26 =	vand.u32 $0x3F, v22;
	[tilespmem:v46+s21+$0x0] =	vst.idx.msk $0xffff, v44  }
0x28e: {  	v27 =	vshll.u32 v20, $0x7;
	v22 =	vshll.u32 v25, $0x7;
	v24 =	vshll.u32 v26, $0x7;
	v44 =	vld.idx.msk [tilespmem:v47+s4+$0x0], $0xffff;
	[tilespmem:v31+s21+$0x0] =	vst.idx.msk $0xffff, v40  }
0x28f: {  	v40 =	vor.u32 v9, v30;
	v31 =	vor.u32 v0, v24;
	[tilespmem:v17+s21+$0x0] =	vst.idx.msk $0xffff, v38;
	v29 =	vld.idx.msk [tilespmem:v29+s4+$0x0], $0xffff  }
0x290: {  	v21 =	vor.u32 v15, v25;
	v38 =	vor.u32 v15, v26;
	[tilespmem:v42+s21+$0x0] =	vst.idx.msk $0xffff, v49;
	v42 =	vld.idx.msk [tilespmem:v50+s4+$0x0], $0xffff  }
0x291: {  	v48 =	vor.u32 v7, v32;
	v46 =	vor.u32 v0, v27;
	v47 =	vor.u32 v9, v35;
	v43 =	vld.idx.msk [tilespmem:v43+s4+$0x0], $0xffff  }
0x292: {  	v17 =	vmov v19;
	v49 =	vor.u32 v0, v22;
	[tilespmem:v41+s21+$0x0] =	vst.idx.msk $0xffff, v45;
	v41 =	vor.u32 v8, v36  }
0x293: {  	v50 =	vor.u32 v15, v51;
	v19 =	vmov v38;
	v45 =	vld.idx.msk [tilespmem:v28+s4+$0x0], $0xffff;
	v28 =	vor.u32 v15, v35  }
0x294: {  	v53 =	vor.u32 v10, v34;
	v38 =	vor.u32 v1, v18;
	v37 =	vld.idx.msk [tilespmem:v37+s4+$0x0], $0xffff;
	[tilespmem:v40+s21+$0x0] =	vst.idx.msk $0xffff, v44  }
0x295: {  	v40 =	vor.u32 v2, v23;
	v44 =	vor.u32 v11, v51;
	v31 =	vld.idx.msk [tilespmem:v31+s4+$0x0], $0xffff;
	[tilespmem:v39+s21+$0x0] =	vst.idx.msk $0xffff, v29  }
0x296: {  	v54 =	vor.u32 v12, v52;
	v39 =	vld.idx.msk [tilespmem:v46+s4+$0x0], $0xffff;
	v46 =	vor.u32 v1, v26;
	[tilespmem:v48+s21+$0x0] =	vst.idx.msk $0xffff, v42  }
0x297: {  	v42 =	vor.u32 v1, v20;
	v48 =	vor.u32 v2, v24;
	[tilespmem:v47+s21+$0x0] =	vst.idx.msk $0xffff, v43;
	v41 =	vld.idx.msk [tilespmem:v41+s4+$0x0], $0xffff  }
0x298: {  	v29 =	vor.u32 v14, v36;
	v47 =	vor.u32 v10, v33;
	v43 =	vld.idx.msk [tilespmem:v49+s4+$0x0], $0xffff;
	v49 =	vor.u32 v9, v32  }
0x299: {  	[tilespmem:v38+s21+$0x0] =	vst.idx.msk $0xffff, v45;
	v38 =	vor.u32 v1, v25;
	v45 =	vld.idx.msk [tilespmem:v53+s4+$0x0], $0xffff;
	v53 =	vor.u32 v10, v36  }
0x29a: {  	v55 =	vor.u32 v2, v27;
	v40 =	vld.idx.msk [tilespmem:v40+s4+$0x0], $0xffff;
	[tilespmem:v44+s21+$0x0] =	vst.idx.msk $0xffff, v37;
	v37 =	vor.u32 v11, v35  }
0x29b: {  	v44 =	vor.u32 v3, v18;
	[tilespmem:v46+s21+$0x0] =	vst.idx.msk $0xffff, v31;
	v31 =	vor.u32 v2, v22;
	v46 =	vld.idx.msk [tilespmem:v54+s4+$0x0], $0xffff  }
0x29c: {  	v54 =	vor.u32 v4, v23;
	[tilespmem:v42+s21+$0x0] =	vst.idx.msk $0xffff, v39;
	v39 =	vld.idx.msk [tilespmem:v48+s4+$0x0], $0xffff;
	v42 =	vor.u32 v13, v51  }
0x29d: {  	v48 =	vor.u32 v3, v26;
	v51 =	vor.u32 v12, v34;
	v47 =	vld.idx.msk [tilespmem:v47+s4+$0x0], $0xffff;
	[tilespmem:v49+s21+$0x0] =	vst.idx.msk $0xffff, v41  }
0x29e: {  	v41 =	vor.u32 v4, v24;
	[tilespmem:v38+s21+$0x0] =	vst.idx.msk $0xffff, v43;
	v38 =	vor.u32 v11, v30;
	v43 =	vld.idx.msk [tilespmem:v53+s4+$0x0], $0xffff  }
0x29f: {  	v52 =	vor.u32 v14, v52;
	v49 =	vld.idx.msk [tilespmem:v55+s4+$0x0], $0xffff;
	[tilespmem:v37+s21+$0x0] =	vst.idx.msk $0xffff, v45;
	v37 =	vor.u32 v11, v32  }
0x2a0: {  	[tilespmem:v44+s21+$0x0] =	vst.idx.msk $0xffff, v40;
	v40 =	vor.u32 v3, v20;
	v31 =	vld.idx.msk [tilespmem:v31+s4+$0x0], $0xffff;
	v44 =	vor.u32 v12, v33  }
0x2a1: {  	v53 =	vor.u32 v4, v27;
	v45 =	vld.idx.msk [tilespmem:v54+s4+$0x0], $0xffff;
	v54 =	vor.u32 v3, v25;
	[tilespmem:v42+s21+$0x0] =	vst.idx.msk $0xffff, v46  }
0x2a2: {  	v42 =	vor.u32 v5, v18;
	[tilespmem:v48+s21+$0x0] =	vst.idx.msk $0xffff, v39;
	v39 =	vor.u32 v4, v22;
	v46 =	vld.idx.msk [tilespmem:v51+s4+$0x0], $0xffff  }
0x2a3: {  	v35 =	vor.u32 v13, v35;
	v48 =	vor.u32 v6, v23;
	v41 =	vld.idx.msk [tilespmem:v41+s4+$0x0], $0xffff;
	[tilespmem:v38+s21+$0x0] =	vst.idx.msk $0xffff, v47  }
0x2a4: {  	v51 =	vor.u32 v14, v34;
	v38 =	vor.u32 v5, v26;
	v47 =	vld.idx.msk [tilespmem:v52+s4+$0x0], $0xffff;
	[tilespmem:v37+s21+$0x0] =	vst.idx.msk $0xffff, v43  }
0x2a5: {  	[tilespmem:v40+s21+$0x0] =	vst.idx.msk $0xffff, v49;
	v40 =	vor.u32 v6, v24;
	v43 =	vld.idx.msk [tilespmem:v44+s4+$0x0], $0xffff;
	v49 =	vor.u32 v12, v36  }
0x2a6: {  	v52 =	vld.idx.msk [tilespmem:v53+s4+$0x0], $0xffff;
	[tilespmem:v54+s21+$0x0] =	vst.idx.msk $0xffff, v31;
	v53 =	vor.u32 v13, v30;
	v31 =	vor.u32 v13, v32  }
0x2a7: {  	v55 =	vor.u32 v14, v33;
	v54 =	vor.u32 v5, v20;
	[tilespmem:v42+s21+$0x0] =	vst.idx.msk $0xffff, v45;
	v32 =	vld.idx.msk [tilespmem:v39+s4+$0x0], $0xffff  }
.Ltmp8:
0x2a8: {  	v34 =	vor.u32 v5, v25;
	v30 =	vor.u32 v6, v27;
	v33 =	vld.idx.msk [tilespmem:v48+s4+$0x0], $0xffff;
	[tilespmem:v35+s21+$0x0] =	vst.idx.msk $0xffff, v46;
	(pc) =	sbr.rel @p2 .LBB2_13-.Ltmp8, $4  }
0x2a9: {  	v37 =	vor.u32 v10, v23;
	v36 =	vor.u32 v7, v18;
	[tilespmem:v38+s21+$0x0] =	vst.idx.msk $0xffff, v41;
	v39 =	vld.idx.msk [tilespmem:v51+s4+$0x0], $0xffff  }
0x2aa: {  	v45 =	vor.u32 v8, v23;
	v41 =	vor.u32 v9, v18;
	v44 =	vld.idx.msk [tilespmem:v40+s4+$0x0], $0xffff;
	[tilespmem:v50+s21+$0x0] =	vst.idx.msk $0xffff, v47  }
0x2ab: {  	v42 =	vor.u32 v7, v20;
	v46 =	vor.u32 v7, v26;
	[tilespmem:v53+s21+$0x0] =	vst.idx.msk $0xffff, v43;
	v40 =	vld.idx.msk [tilespmem:v49+s4+$0x0], $0xffff  }
0x2ac: {  	s7 =	smov.u32 s2;
	v47 =	vor.u32 v8, v24;
	v43 =	vor.u32 v8, v27;
	[tilespmem:v54+s21+$0x0] =	vst.idx.msk $0xffff, v52;
	v38 =	vld.idx.msk [tilespmem:v55+s4+$0x0], $0xffff  }
0x2ad: {  	v35 =	vor.u32 v6, v22;
	_ =	sdelay $0x3  }
0x2ae: {  	v30 =	vld.idx.msk [tilespmem:v30+s4+$0x0], $0xffff;
	[tilespmem:v34+s21+$0x0] =	vst.idx.msk $0xffff, v32  }
0x2af: {  	v52 =	vor.u32 v7, v25;
	v32 =	vld.idx.msk [tilespmem:v35+s4+$0x0], $0xffff  }
0x2b0: {  	v53 =	vor.u32 v8, v22  }
0x2b1: {  	[tilespmem:v36+s21+$0x0] =	vst.idx.msk $0xffff, v33  }
0x2b2: {  	v33 =	vld.idx.msk [tilespmem:v45+s4+$0x0], $0xffff;
	[tilespmem:v46+s21+$0x0] =	vst.idx.msk $0xffff, v44  }
0x2b3: {  	v56 =	vor.u32 v9, v26;
	v55 =	vld.idx.msk [tilespmem:v47+s4+$0x0], $0xffff;
	[tilespmem:v42+s21+$0x0] =	vst.idx.msk $0xffff, v30  }
0x2b4: {  	v54 =	vor.u32 v9, v20;
	v58 =	vor.u32 v10, v24;
	v30 =	vld.idx.msk [tilespmem:v43+s4+$0x0], $0xffff;
	[tilespmem:v52+s21+$0x0] =	vst.idx.msk $0xffff, v32  }
0x2b5: {  	v57 =	vor.u32 v10, v27;
	v59 =	vor.u32 v9, v25;
	v32 =	vld.idx.msk [tilespmem:v53+s4+$0x0], $0xffff  }
0x2b6: {  	v60 =	vor.u32 v10, v22  }
0x2b7: {  	[tilespmem:v41+s21+$0x0] =	vst.idx.msk $0xffff, v33  }
0x2b8: {  	v61 =	vor.u32 v11, v18;
	v33 =	vld.idx.msk [tilespmem:v37+s4+$0x0], $0xffff;
	[tilespmem:v56+s21+$0x0] =	vst.idx.msk $0xffff, v55  }
0x2b9: {  	v62 =	vor.u32 v12, v23;
	v49 =	vor.u32 v11, v26;
	v34 =	vld.idx.msk [tilespmem:v58+s4+$0x0], $0xffff;
	[tilespmem:v54+s21+$0x0] =	vst.idx.msk $0xffff, v30  }
0x2ba: {  	v63 =	vor.u32 v11, v20;
	v51 =	vor.u32 v12, v24;
	v36 =	vld.idx.msk [tilespmem:v57+s4+$0x0], $0xffff;
	[tilespmem:v59+s21+$0x0] =	vst.idx.msk $0xffff, v32  }
0x2bb: {  	v48 =	vor.u32 v12, v27;
	v50 =	vor.u32 v11, v25;
	v35 =	vld.idx.msk [tilespmem:v60+s4+$0x0], $0xffff  }
0x2bc: {  	v52 =	vor.u32 v12, v22  }
0x2bd: {  	[tilespmem:v61+s21+$0x0] =	vst.idx.msk $0xffff, v33  }
0x2be: {  	v53 =	vor.u32 v13, v18;
	v30 =	vld.idx.msk [tilespmem:v62+s4+$0x0], $0xffff;
	[tilespmem:v49+s21+$0x0] =	vst.idx.msk $0xffff, v34  }
0x2bf: {  	v54 =	vor.u32 v14, v23;
	v57 =	vor.u32 v13, v26;
	v32 =	vld.idx.msk [tilespmem:v51+s4+$0x0], $0xffff;
	[tilespmem:v63+s21+$0x0] =	vst.idx.msk $0xffff, v36  }
0x2c0: {  	v55 =	vor.u32 v13, v20;
	v59 =	vor.u32 v14, v24;
	v36 =	vld.idx.msk [tilespmem:v48+s4+$0x0], $0xffff;
	[tilespmem:v50+s21+$0x0] =	vst.idx.msk $0xffff, v35  }
0x2c1: {  	[tilespmem:v28+s21+$0x0] =	vst.idx.msk $0xffff, v39;
	v56 =	vor.u32 v14, v27;
	v58 =	vor.u32 v13, v25;
	v60 =	vld.idx.msk [tilespmem:v52+s4+$0x0], $0xffff  }
0x2c2: {  	[tilespmem:v31+s21+$0x0] =	vst.idx.msk $0xffff, v40;
	v61 =	vor.u32 v14, v22  }
0x2c3: {  	v29 =	vld.idx.msk [tilespmem:v29+s4+$0x0], $0xffff;
	[tilespmem:v53+s21+$0x0] =	vst.idx.msk $0xffff, v30  }
0x2c4: {  	v62 =	vor.u32 v15, v18;
	v23 =	vld.idx.msk [tilespmem:v54+s4+$0x0], $0xffff;
	[tilespmem:v57+s21+$0x0] =	vst.idx.msk $0xffff, v32  }
0x2c5: {  	v24 =	vld.idx.msk [tilespmem:v59+s4+$0x0], $0xffff;
	[tilespmem:v55+s21+$0x0] =	vst.idx.msk $0xffff, v36  }
0x2c6: {  	v63 =	vor.u32 v15, v20;
	v27 =	vld.idx.msk [tilespmem:v56+s4+$0x0], $0xffff;
	[tilespmem:v58+s21+$0x0] =	vst.idx.msk $0xffff, v60  }
0x2c7: {  	[tilespmem:v17+s21+$0x0] =	vst.idx.msk $0xffff, v38;
	v17 =	vld.idx.msk [tilespmem:v61+s4+$0x0], $0xffff  }
0x2c8: {  	[tilespmem:v16+s21+$0x0] =	vst.idx.msk $0xffff, v29  }
0x2c9: {  	[tilespmem:v62+s21+$0x0] =	vst.idx.msk $0xffff, v23  }
0x2ca: {  	[tilespmem:v19+s21+$0x0] =	vst.idx.msk $0xffff, v24  }
0x2cb: {  	[tilespmem:v63+s21+$0x0] =	vst.idx.msk $0xffff, v27  }
0x2cc: {  	[tilespmem:v21+s21+$0x0] =	vst.idx.msk $0xffff, v17  }
.Ltmp9:
0x2cd: {  	s2 =	rddreg [dreg:$0x8];
	(pc) =	sbr.rel .LBB2_15-.Ltmp9, $4  }
0x2ce: {  	[hbm4b:s2+s4] =	stream.linear.scatter [tilespmem:s21], [sflag:$0x5], $0x4000, $0x38;
	[tilespmem:$0x18000] =	vst v63  }
0x2cf: {  	_ =	swait.ge [sflag:s29], $0x4000  }
0x2d0: {  	[sflag:s29] =	ssyncset.done $0x0  }
0x2d1: {  	[sflag:s29] =	ssyncadd.s32 $0xFFFFC000  }
.LBB2_16:
0x2d2: {  	_ =	sfence.sel $0x180000  }
0x2d3: {  	[bflag:$0x0] =	sbarrier.arrive $0xFFFF  }
0x2d4: {  	_ =	strace $0x90000047  }
0x2d5: {  	s0 =	stileid.u32;
	[bflag:$0x2] =	sbarrier.arrive $0xFFFF  }
0x2d6: {  	p0 =	sne.s32 s0, $0x0;
	s0 =	rddreg [dreg:$0x3]  }
0x2d7: {  	s0 =	sadd.s32 @!p0 $0x100000, s0  }
0x2d8: {  	[sflag:s0] =	ssyncadd.tile.s32 @!p0 $0x1;
	_ =	shalt  }
.Lfunc_end2:
_tile_overlayer_lowered:
.L_overlay_start_2:
0x2d9: {  	(tag) =	ssettag $0x2  }
0x2da: {  	s0 =	rddreg [dreg:$0x0];
	s2 =	stileid.u32  }
0x2db: {  	s1 =	rddreg [dreg:$0x1];
	p0 =	sne.s32 s2, $0x0  }
0x2dc: {  	s3 =	rddreg [dreg:$0x2];
	[bflag:$0x3] =	sbarrier.arrive $0xFFFF;
	s2 =	simm.s32 @!p0 $0x1C09  }
0x2dd: {  	[timem:s3], [sflag:s2] =	dma.local @!p0 [hbm:s0], s1  }
0x2de: {  	s0 =	simm.s32 @!p0 $0x9  }
0x2df: {  	_ =	swait.ge @!p0 [sflag:s0], s1  }
0x2e0: {  	s1 =	ssub.s32 @!p0 $0x0, s1;
	[sflag:s0] =	ssyncset.done @!p0 $0x0  }
0x2e1: {  	[sflag:s0] =	ssyncadd.s32 @!p0 s1  }
0x2e2: {  	[bflag:$0x3] =	sbarrier.arrive $0xFFFF  }
0x2e3: {  	_ =	shalt  }

</sc_bundles>
